<compile_context>
chip_gen: v7x
topology: tpu7x:2x2x1
jax: 0.10.2.dev20260603
libtpu: 0.0.44.dev20260713+nightly
codegen_flags: <defaults>
</compile_context>

<pallas_src>
import functools

import jax
import jax.numpy as jnp
from jax import lax
from jax.experimental import pallas as pl
from jax.experimental.pallas import tpu as pltpu
from jax.experimental.pallas import tpu_sc as plsc

N = 10000
E = 320000
D = 128

NC = 2
NS = 16
NW = NC * NS

EB = 128
EW = E // NW
EWP = 10240
HCHUNKS = EWP // EB
SCHUNKS = 2 * HCHUNKS

NPAD = 10240
HB_PER_SUB = NPAD // NS

HALF = 5000
ACC_ROWS = 5120
ACC_PER_SUB = ACC_ROWS // NS


def _mesh():
    return plsc.VectorSubcoreMesh(
        core_axis_name="c", subcore_axis_name="s", num_cores=NC, num_subcores=NS
    )


def _sc_degree(dst2d):

    @functools.partial(
        pl.kernel,
        out_type=jax.ShapeDtypeStruct((NC, NPAD), jnp.float32),
        mesh=_mesh(),
        scratch_types=[
            pltpu.VMEM((HCHUNKS, EB), jnp.int32),
            pltpu.VMEM((EB,), jnp.float32),
            pltpu.VMEM((HB_PER_SUB,), jnp.float32),
            pltpu.VMEM_SHARED((NPAD,), jnp.float32),
            pltpu.SemaphoreType.DMA,
        ],
    )
    def hist(dst_hbm, out_hbm, idx_v, ones_v, zer_v, acc_sh, sem):
        c = lax.axis_index("c")
        s = lax.axis_index("s")
        wid = c * NS + s

        for i in range(EB // 16):
            ones_v[pl.ds(i * 16, 16)] = jnp.ones((16,), jnp.float32)

        def zbody(i, _):
            zer_v[pl.ds(i * 16, 16)] = jnp.zeros((16,), jnp.float32)
            return 0

        lax.fori_loop(0, HB_PER_SUB // 16, zbody, 0)
        pltpu.sync_copy(zer_v, acc_sh.at[pl.ds(s * HB_PER_SUB, HB_PER_SUB)])
        plsc.subcore_barrier()

        pltpu.sync_copy(dst_hbm.at[pl.ds(wid * HCHUNKS, HCHUNKS)], idx_v)

        def body(j, _):
            pltpu.sync_copy(ones_v, acc_sh.at[idx_v.at[j]], add=True)
            return 0

        lax.fori_loop(0, HCHUNKS, body, 0)
        plsc.subcore_barrier()
        pltpu.sync_copy(
            acc_sh.at[pl.ds(s * HB_PER_SUB, HB_PER_SUB)],
            out_hbm.at[c, pl.ds(s * HB_PER_SUB, HB_PER_SUB)],
        )

    return hist(dst2d)


def _sc_scatter(g, src2d, dst2d):

    @functools.partial(
        pl.kernel,
        out_type=jax.ShapeDtypeStruct((NC, ACC_ROWS, D), jnp.float32),
        mesh=_mesh(),
        scratch_types=[
            pltpu.VMEM((SCHUNKS, EB), jnp.int32),
            pltpu.VMEM((SCHUNKS, EB), jnp.int32),
            pltpu.VMEM((EB, D), jnp.float32),
            pltpu.VMEM((EB, D), jnp.float32),
            pltpu.VMEM_SHARED((ACC_ROWS, D), jnp.float32),
            pltpu.SemaphoreType.DMA,
        ],
    )
    def scat(g_hbm, src_hbm, dst_hbm, out_hbm, sidx, didx, rows, zer, acc_sh, sem):
        c = lax.axis_index("c")
        s = lax.axis_index("s")

        def zbody(i, _):
            for k in range(D // 16):
                zer[i, pl.ds(k * 16, 16)] = jnp.zeros((16,), jnp.float32)
            return 0

        lax.fori_loop(0, EB, zbody, 0)
        for k in range(ACC_PER_SUB // EB + 1):
            nrow = min(EB, ACC_PER_SUB - k * EB)
            if nrow > 0:
                pltpu.sync_copy(
                    zer.at[pl.ds(0, nrow)],
                    acc_sh.at[pl.ds(s * ACC_PER_SUB + k * EB, nrow)],
                )
        plsc.subcore_barrier()

        pltpu.sync_copy(src_hbm.at[pl.ds(s * SCHUNKS, SCHUNKS)], sidx)
        pltpu.sync_copy(dst_hbm.at[pl.ds(s * SCHUNKS, SCHUNKS)], didx)

        lane = jax.lax.iota(jnp.int32, 16)
        lo = c * HALF

        def tbody(t, _):
            j = t // (EB // 16)
            k = t % (EB // 16)
            d = didx[j, pl.ds(k * 16, 16)]
            loc = d - lo
            ok = (loc >= 0) & (loc < HALF)
            dummy = HALF + lax.rem(t, 104) + lane
            didx[j, pl.ds(k * 16, 16)] = jnp.where(ok, loc, dummy)
            return 0

        lax.fori_loop(0, SCHUNKS * (EB // 16), tbody, 0)

        def body(j, _):
            pltpu.async_copy(g_hbm.at[sidx.at[j]], rows, sem).wait()
            pltpu.sync_copy(rows, acc_sh.at[didx.at[j]], add=True)
            return 0

        lax.fori_loop(0, SCHUNKS, body, 0)
        plsc.subcore_barrier()
        pltpu.sync_copy(
            acc_sh.at[pl.ds(s * ACC_PER_SUB, ACC_PER_SUB)],
            out_hbm.at[c, pl.ds(s * ACC_PER_SUB, ACC_PER_SUB)],
        )

    return scat(g, src2d, dst2d)


_BM = 1000


def _tc_stage1(x, W1, dis):
    def kern(x_ref, w_ref, dis_ref, g_ref):
        h = jnp.dot(x_ref[...], w_ref[...], preferred_element_type=jnp.float32)
        g_ref[...] = h * dis_ref[...]

    return pl.pallas_call(
        kern,
        grid=(N // _BM,),
        in_specs=[
            pl.BlockSpec((_BM, D), lambda i: (i, 0)),
            pl.BlockSpec((D, D), lambda i: (0, 0)),
            pl.BlockSpec((_BM, 1), lambda i: (i, 0)),
        ],
        out_specs=pl.BlockSpec((_BM, D), lambda i: (i, 0)),
        out_shape=jax.ShapeDtypeStruct((N, D), jnp.float32),
    )(x, W1, dis)


def _tc_stage2(tmp, g, dis, b1, Wd, bd):
    nb = HALF // _BM

    def kern(t_ref, g_ref, dis_ref, b1_ref, wd_ref, bd_ref, out_ref, h2_ref):
        pre = dis_ref[...] * (t_ref[0] + g_ref[...]) + b1_ref[...]
        h2 = jnp.maximum(pre, 0.0)
        h2_ref[...] = h2
        out_ref[...] = (
            jnp.dot(h2, wd_ref[...], preferred_element_type=jnp.float32) + bd_ref[...]
        )

    return pl.pallas_call(
        kern,
        grid=(N // _BM,),
        in_specs=[
            pl.BlockSpec((1, _BM, D), lambda i: (i // nb, i % nb, 0)),
            pl.BlockSpec((_BM, D), lambda i: (i, 0)),
            pl.BlockSpec((_BM, 1), lambda i: (i, 0)),
            pl.BlockSpec((1, D), lambda i: (0, 0)),
            pl.BlockSpec((D, D), lambda i: (0, 0)),
            pl.BlockSpec((1, D), lambda i: (0, 0)),
        ],
        out_specs=[
            pl.BlockSpec((_BM, D), lambda i: (i, 0)),
            pl.BlockSpec((_BM, D), lambda i: (i, 0)),
        ],
        out_shape=[
            jax.ShapeDtypeStruct((N, D), jnp.float32),
            jax.ShapeDtypeStruct((N, D), jnp.float32),
        ],
    )(tmp, g, dis, b1, Wd, bd)


def kernel(x, edge_index, W1, b1, Wd, bd):
    src = edge_index[0].reshape(NW, EW)
    dst = edge_index[1].reshape(NW, EW)
    pad_dst = jnp.broadcast_to(jnp.arange(N, NPAD, dtype=jnp.int32), (NW, EWP - EW))
    pad_src = jnp.zeros((NW, EWP - EW), jnp.int32)
    src2d = jnp.concatenate([src, pad_src], axis=1).reshape(NW * HCHUNKS, EB)
    dst2d = jnp.concatenate([dst, pad_dst], axis=1).reshape(NW * HCHUNKS, EB)

    degp = _sc_degree(dst2d)
    deg = degp[0, :N] + degp[1, :N] + 1.0
    dis = lax.rsqrt(deg).reshape(N, 1)
    g = _tc_stage1(x, W1, dis)
    tmp = _sc_scatter(g, src2d, dst2d)
    out2, h2 = _tc_stage2(tmp, g, dis, b1.reshape(1, D), Wd, bd.reshape(1, D))
    return (out2, h2)

# --- scband reference (transcript-rebuilt; emitter-appended) ---
"""Pipeline reference for scband-gcnnet-77008763617440 (READ-ONLY COPY).

The authoritative reference and input builder live on the scoring server;
editing this copy changes nothing except your own understanding.
"""

import jax, jax.numpy as jnp
import numpy as np

N = 10000
E = 320000
D = 128


def setup_inputs(seed: int = 0) -> dict:
    key = jax.random.key(seed)
    k1, k2, k3, k4 = jax.random.split(key, 4)
    x = jax.random.normal(k1, (N, D), dtype=jnp.float32)
    edge_index = jax.random.randint(k2, (2, E), 0, N, dtype=jnp.int32)
    W1 = jax.random.normal(k3, (D, D), dtype=jnp.float32) * 0.05
    b1 = jnp.zeros((D,), dtype=jnp.float32)
    Wd = jax.random.normal(k4, (D, D), dtype=jnp.float32) * 0.05
    bd = jnp.zeros((D,), dtype=jnp.float32)
    return {"x": x, "edge_index": edge_index, "W1": W1, "b1": b1, "Wd": Wd, "bd": bd}


def _gcn_conv(x, edge_index, W, b):
    n = x.shape[0]
    src = edge_index[0]
    dst = edge_index[1]
    loop = jnp.arange(n, dtype=src.dtype)
    src = jnp.concatenate([src, loop])
    dst = jnp.concatenate([dst, loop])
    deg = jax.ops.segment_sum(jnp.ones(src.shape[0], dtype=x.dtype), dst, num_segments=n)
    deg_inv_sqrt = jnp.where(deg > 0, jax.lax.rsqrt(jnp.maximum(deg, 1e-12)), 0.0)
    norm = deg_inv_sqrt[src] * deg_inv_sqrt[dst]
    h = x @ W
    msg = h[src] * norm[:, None]
    out = jax.ops.segment_sum(msg, dst, num_segments=n)
    return out + b


def reference(x, edge_index, W1, b1, Wd, bd):
    # GCNNet forward (eval mode: dropout is identity)
    h = _gcn_conv(x, edge_index, W1, b1)
    h = jax.nn.relu(h)
    out = h @ Wd + bd
    return (out, h)

if __name__ == "__main__":
    import jax
    _d = setup_inputs()
    print(jax.jit(kernel)(*tuple(_d.values())))

</pallas_src>

<mosaic_0001>
#map = affine_map<(d0, d1) -> (0, 0)>
#map1 = affine_map<(d0, d1) -> (0, 0, 0)>
module attributes {stable_mosaic.version = 14 : i64} {
  func.func @scat(%arg0: i32, %arg1: i32, %arg2: memref<10000x128xf32, #tpu.memory_space<hbm>>, %arg3: memref<2560x128xi32, #tpu.memory_space<hbm>>, %arg4: memref<2560x128xi32, #tpu.memory_space<hbm>>, %arg5: memref<2x5120x128xf32, #tpu.memory_space<hbm>>, %arg6: memref<160x128xi32, #tpu.memory_space<vmem>>, %arg7: memref<160x128xi32, #tpu.memory_space<vmem>>, %arg8: memref<128x128xf32, #tpu.memory_space<vmem>>, %arg9: memref<128x128xf32, #tpu.memory_space<vmem>>, %arg10: memref<5120x128xf32, #tpu.memory_space<vmem_shared>>, %arg11: memref<!tpu.dma_semaphore, #tpu.memory_space<semaphore_mem>>) attributes {dimension_semantics = [#tpu.dimension_semantics<core_parallel>, #tpu.dimension_semantics<subcore_parallel>], iteration_bounds = array<i64: 2, 16>, scalar_prefetch = 0 : i64, scratch_operands = 6 : i64, tpu.core_type = #tpu.core_type<sc_vector_subcore>, window_params = [{transform_indices = #map}, {transform_indices = #map}, {transform_indices = #map}, {transform_indices = #map1}]} {
    %scan3A = arith.constant 0 : i32
    %scan3A_0 = arith.constant 0 : i32
    %scan3A_1 = arith.constant 128 : i32
    %scan3A_2 = arith.addi %scan3A_0, %scan3A_1 : i32
    %scan3A_3 = arith.constant 1 : i32
    %scan3A_4 = scf.for %scan3A_41 = %scan3A_0 to %scan3A_2 step %scan3A_3 iter_args(%scan3A_42 = %scan3A) -> (i32)  : i32 {
      %broadcast_in_dim3A = arith.constant 0.000000e+00 : f32
      %broadcast_in_dim3A_43 = vector.broadcast %broadcast_in_dim3A : f32 to vector<16xf32>
      %swap3A = arith.index_cast %scan3A_41 : i32 to index
      %swap3A_44 = arith.constant 0 : index
      %swap3A_45 = tpu.vector_load %arg9[%swap3A, %swap3A_44] {strides = array<i32>} : memref<128x128xf32, #tpu.memory_space<vmem>>, vector<1x16xf32>,
      %swap3A_46 = vector.shape_cast %swap3A_45 : vector<1x16xf32> to vector<16xf32>
      %swap3A_47 = vector.shape_cast %broadcast_in_dim3A_43 : vector<16xf32> to vector<1x16xf32>
      tpu.vector_store %arg9[%swap3A, %swap3A_44], %swap3A_47 {strides = array<i32>} : memref<128x128xf32, #tpu.memory_space<vmem>>, vector<1x16xf32>,
      %broadcast_in_dim3A_48 = arith.constant 0.000000e+00 : f32
      %broadcast_in_dim3A_49 = vector.broadcast %broadcast_in_dim3A_48 : f32 to vector<16xf32>
      %swap3A_50 = arith.index_cast %scan3A_41 : i32 to index
      %swap3A_51 = arith.constant 16 : index
      %swap3A_52 = tpu.vector_load %arg9[%swap3A_50, %swap3A_51] {strides = array<i32>} : memref<128x128xf32, #tpu.memory_space<vmem>>, vector<1x16xf32>,
      %swap3A_53 = vector.shape_cast %swap3A_52 : vector<1x16xf32> to vector<16xf32>
      %swap3A_54 = vector.shape_cast %broadcast_in_dim3A_49 : vector<16xf32> to vector<1x16xf32>
      tpu.vector_store %arg9[%swap3A_50, %swap3A_51], %swap3A_54 {strides = array<i32>} : memref<128x128xf32, #tpu.memory_space<vmem>>, vector<1x16xf32>,
      %broadcast_in_dim3A_55 = arith.constant 0.000000e+00 : f32
      %broadcast_in_dim3A_56 = vector.broadcast %broadcast_in_dim3A_55 : f32 to vector<16xf32>
      %swap3A_57 = arith.index_cast %scan3A_41 : i32 to index
      %swap3A_58 = arith.constant 32 : index
      %swap3A_59 = tpu.vector_load %arg9[%swap3A_57, %swap3A_58] {strides = array<i32>} : memref<128x128xf32, #tpu.memory_space<vmem>>, vector<1x16xf32>,
      %swap3A_60 = vector.shape_cast %swap3A_59 : vector<1x16xf32> to vector<16xf32>
      %swap3A_61 = vector.shape_cast %broadcast_in_dim3A_56 : vector<16xf32> to vector<1x16xf32>
      tpu.vector_store %arg9[%swap3A_57, %swap3A_58], %swap3A_61 {strides = array<i32>} : memref<128x128xf32, #tpu.memory_space<vmem>>, vector<1x16xf32>,
      %broadcast_in_dim3A_62 = arith.constant 0.000000e+00 : f32
      %broadcast_in_dim3A_63 = vector.broadcast %broadcast_in_dim3A_62 : f32 to vector<16xf32>
      %swap3A_64 = arith.index_cast %scan3A_41 : i32 to index
      %swap3A_65 = arith.constant 48 : index
      %swap3A_66 = tpu.vector_load %arg9[%swap3A_64, %swap3A_65] {strides = array<i32>} : memref<128x128xf32, #tpu.memory_space<vmem>>, vector<1x16xf32>,
      %swap3A_67 = vector.shape_cast %swap3A_66 : vector<1x16xf32> to vector<16xf32>
      %swap3A_68 = vector.shape_cast %broadcast_in_dim3A_63 : vector<16xf32> to vector<1x16xf32>
      tpu.vector_store %arg9[%swap3A_64, %swap3A_65], %swap3A_68 {strides = array<i32>} : memref<128x128xf32, #tpu.memory_space<vmem>>, vector<1x16xf32>,
      %broadcast_in_dim3A_69 = arith.constant 0.000000e+00 : f32
      %broadcast_in_dim3A_70 = vector.broadcast %broadcast_in_dim3A_69 : f32 to vector<16xf32>
      %swap3A_71 = arith.index_cast %scan3A_41 : i32 to index
      %swap3A_72 = arith.constant 64 : index
      %swap3A_73 = tpu.vector_load %arg9[%swap3A_71, %swap3A_72] {strides = array<i32>} : memref<128x128xf32, #tpu.memory_space<vmem>>, vector<1x16xf32>,
      %swap3A_74 = vector.shape_cast %swap3A_73 : vector<1x16xf32> to vector<16xf32>
      %swap3A_75 = vector.shape_cast %broadcast_in_dim3A_70 : vector<16xf32> to vector<1x16xf32>
      tpu.vector_store %arg9[%swap3A_71, %swap3A_72], %swap3A_75 {strides = array<i32>} : memref<128x128xf32, #tpu.memory_space<vmem>>, vector<1x16xf32>,
      %broadcast_in_dim3A_76 = arith.constant 0.000000e+00 : f32
      %broadcast_in_dim3A_77 = vector.broadcast %broadcast_in_dim3A_76 : f32 to vector<16xf32>
      %swap3A_78 = arith.index_cast %scan3A_41 : i32 to index
      %swap3A_79 = arith.constant 80 : index
      %swap3A_80 = tpu.vector_load %arg9[%swap3A_78, %swap3A_79] {strides = array<i32>} : memref<128x128xf32, #tpu.memory_space<vmem>>, vector<1x16xf32>,
      %swap3A_81 = vector.shape_cast %swap3A_80 : vector<1x16xf32> to vector<16xf32>
      %swap3A_82 = vector.shape_cast %broadcast_in_dim3A_77 : vector<16xf32> to vector<1x16xf32>
      tpu.vector_store %arg9[%swap3A_78, %swap3A_79], %swap3A_82 {strides = array<i32>} : memref<128x128xf32, #tpu.memory_space<vmem>>, vector<1x16xf32>,
      %broadcast_in_dim3A_83 = arith.constant 0.000000e+00 : f32
      %broadcast_in_dim3A_84 = vector.broadcast %broadcast_in_dim3A_83 : f32 to vector<16xf32>
      %swap3A_85 = arith.index_cast %scan3A_41 : i32 to index
      %swap3A_86 = arith.constant 96 : index
      %swap3A_87 = tpu.vector_load %arg9[%swap3A_85, %swap3A_86] {strides = array<i32>} : memref<128x128xf32, #tpu.memory_space<vmem>>, vector<1x16xf32>,
      %swap3A_88 = vector.shape_cast %swap3A_87 : vector<1x16xf32> to vector<16xf32>
      %swap3A_89 = vector.shape_cast %broadcast_in_dim3A_84 : vector<16xf32> to vector<1x16xf32>
      tpu.vector_store %arg9[%swap3A_85, %swap3A_86], %swap3A_89 {strides = array<i32>} : memref<128x128xf32, #tpu.memory_space<vmem>>, vector<1x16xf32>,
      %broadcast_in_dim3A_90 = arith.constant 0.000000e+00 : f32
      %broadcast_in_dim3A_91 = vector.broadcast %broadcast_in_dim3A_90 : f32 to vector<16xf32>
      %swap3A_92 = arith.index_cast %scan3A_41 : i32 to index
      %swap3A_93 = arith.constant 112 : index
      %swap3A_94 = tpu.vector_load %arg9[%swap3A_92, %swap3A_93] {strides = array<i32>} : memref<128x128xf32, #tpu.memory_space<vmem>>, vector<1x16xf32>,
      %swap3A_95 = vector.shape_cast %swap3A_94 : vector<1x16xf32> to vector<16xf32>
      %swap3A_96 = vector.shape_cast %broadcast_in_dim3A_91 : vector<16xf32> to vector<1x16xf32>
      tpu.vector_store %arg9[%swap3A_92, %swap3A_93], %swap3A_96 {strides = array<i32>} : memref<128x128xf32, #tpu.memory_space<vmem>>, vector<1x16xf32>,
      %scan3A_97 = arith.constant 0 : i32
      scf.yield %scan3A_97 : i32
    }
    %scan3A_5 = arith.constant 128 : i32
    %mul3A = arith.constant 320 : i32
    %mul3A_6 = arith.muli %arg1, %mul3A : i32
    %add3A = arith.constant 0 : i32
    %add3A_7 = arith.addi %mul3A_6, %add3A : i32
    "tpu.region"() ({
      %run_scoped3A = tpu.sem_alloc : memref<!tpu.dma_semaphore, #tpu.memory_space<semaphore_mem>>
      %dma_start3A = arith.constant 0 : i32
      %dma_start3A_41 = arith.constant 0 : i32
      %dma_start3A_42 = tpu.memref_slice %arg9[%dma_start3A, %dma_start3A_41] : memref<128x128xf32, #tpu.memory_space<vmem>> -> memref<128x128xf32, #tpu.memory_space<vmem>>
      %dma_start3A_43 = arith.constant 0 : i32
      %dma_start3A_44 = tpu.memref_slice %arg10[%add3A_7, %dma_start3A_43] : memref<5120x128xf32, #tpu.memory_space<vmem_shared>> -> memref<128x128xf32, #tpu.memory_space<vmem_shared>>
      %dma_start3A_45 = arith.constant 0 : i32
      %dma_start3A_46 = tpu.memref_slice %arg10[%add3A_7, %dma_start3A_45] : memref<5120x128xf32, #tpu.memory_space<vmem_shared>> -> memref<128x128xf32, #tpu.memory_space<vmem_shared>>
      %dma_start3A_47 = arith.constant 0 : i32
      %dma_start3A_48 = arith.constant 0 : i32
      %dma_start3A_49 = tpu.memref_slice %arg9[%dma_start3A_47, %dma_start3A_48] : memref<128x128xf32, #tpu.memory_space<vmem>> -> memref<128x128xf32, #tpu.memory_space<vmem>>
      tpu.enqueue_dma source(%dma_start3A_49 : memref<128x128xf32, #tpu.memory_space<vmem>>) target(%dma_start3A_46 : memref<128x128xf32, #tpu.memory_space<vmem_shared>>) target_semaphore(%run_scoped3A : memref<!tpu.dma_semaphore, #tpu.memory_space<semaphore_mem>>)
      %dma_wait3A = arith.constant 0 : i32
      %dma_wait3A_50 = arith.constant 0 : i32
      %dma_wait3A_51 = tpu.memref_slice %arg9[%dma_wait3A, %dma_wait3A_50] : memref<128x128xf32, #tpu.memory_space<vmem>> -> memref<128x128xf32, #tpu.memory_space<vmem>>
      %dma_wait3A_52 = arith.constant 0 : i32
      %dma_wait3A_53 = tpu.memref_slice %arg10[%add3A_7, %dma_wait3A_52] : memref<5120x128xf32, #tpu.memory_space<vmem_shared>> -> memref<128x128xf32, #tpu.memory_space<vmem_shared>>
      %dma_wait3A_54 = arith.constant 0 : i32
      %dma_wait3A_55 = tpu.memref_slice %arg10[%add3A_7, %dma_wait3A_54] : memref<5120x128xf32, #tpu.memory_space<vmem_shared>> -> memref<128x128xf32, #tpu.memory_space<vmem_shared>>
      %dma_wait3A_56 = arith.constant 0 : i32
      %dma_wait3A_57 = arith.constant 0 : i32
      %dma_wait3A_58 = tpu.memref_slice %arg9[%dma_wait3A_56, %dma_wait3A_57] : memref<128x128xf32, #tpu.memory_space<vmem>> -> memref<128x128xf32, #tpu.memory_space<vmem>>
      tpu.wait_dma2 semaphore(%run_scoped3A : memref<!tpu.dma_semaphore, #tpu.memory_space<semaphore_mem>>) src(%dma_wait3A_58 : memref<128x128xf32, #tpu.memory_space<vmem>>) dst(%dma_wait3A_55 : memref<128x128xf32, #tpu.memory_space<vmem_shared>>)
      tpu.yield
    }) : () -> ()
    %mul3A_8 = arith.constant 320 : i32
    %mul3A_9 = arith.muli %arg1, %mul3A_8 : i32
    %add3A_10 = arith.constant 128 : i32
    %add3A_11 = arith.addi %mul3A_9, %add3A_10 : i32
    "tpu.region"() ({
      %run_scoped3A = tpu.sem_alloc : memref<!tpu.dma_semaphore, #tpu.memory_space<semaphore_mem>>
      %dma_start3A = arith.constant 0 : i32
      %dma_start3A_41 = arith.constant 0 : i32
      %dma_start3A_42 = tpu.memref_slice %arg9[%dma_start3A, %dma_start3A_41] : memref<128x128xf32, #tpu.memory_space<vmem>> -> memref<128x128xf32, #tpu.memory_space<vmem>>
      %dma_start3A_43 = arith.constant 0 : i32
      %dma_start3A_44 = tpu.memref_slice %arg10[%add3A_11, %dma_start3A_43] : memref<5120x128xf32, #tpu.memory_space<vmem_shared>> -> memref<128x128xf32, #tpu.memory_space<vmem_shared>>
      %dma_start3A_45 = arith.constant 0 : i32
      %dma_start3A_46 = tpu.memref_slice %arg10[%add3A_11, %dma_start3A_45] : memref<5120x128xf32, #tpu.memory_space<vmem_shared>> -> memref<128x128xf32, #tpu.memory_space<vmem_shared>>
      %dma_start3A_47 = arith.constant 0 : i32
      %dma_start3A_48 = arith.constant 0 : i32
      %dma_start3A_49 = tpu.memref_slice %arg9[%dma_start3A_47, %dma_start3A_48] : memref<128x128xf32, #tpu.memory_space<vmem>> -> memref<128x128xf32, #tpu.memory_space<vmem>>
      tpu.enqueue_dma source(%dma_start3A_49 : memref<128x128xf32, #tpu.memory_space<vmem>>) target(%dma_start3A_46 : memref<128x128xf32, #tpu.memory_space<vmem_shared>>) target_semaphore(%run_scoped3A : memref<!tpu.dma_semaphore, #tpu.memory_space<semaphore_mem>>)
      %dma_wait3A = arith.constant 0 : i32
      %dma_wait3A_50 = arith.constant 0 : i32
      %dma_wait3A_51 = tpu.memref_slice %arg9[%dma_wait3A, %dma_wait3A_50] : memref<128x128xf32, #tpu.memory_space<vmem>> -> memref<128x128xf32, #tpu.memory_space<vmem>>
      %dma_wait3A_52 = arith.constant 0 : i32
      %dma_wait3A_53 = tpu.memref_slice %arg10[%add3A_11, %dma_wait3A_52] : memref<5120x128xf32, #tpu.memory_space<vmem_shared>> -> memref<128x128xf32, #tpu.memory_space<vmem_shared>>
      %dma_wait3A_54 = arith.constant 0 : i32
      %dma_wait3A_55 = tpu.memref_slice %arg10[%add3A_11, %dma_wait3A_54] : memref<5120x128xf32, #tpu.memory_space<vmem_shared>> -> memref<128x128xf32, #tpu.memory_space<vmem_shared>>
      %dma_wait3A_56 = arith.constant 0 : i32
      %dma_wait3A_57 = arith.constant 0 : i32
      %dma_wait3A_58 = tpu.memref_slice %arg9[%dma_wait3A_56, %dma_wait3A_57] : memref<128x128xf32, #tpu.memory_space<vmem>> -> memref<128x128xf32, #tpu.memory_space<vmem>>
      tpu.wait_dma2 semaphore(%run_scoped3A : memref<!tpu.dma_semaphore, #tpu.memory_space<semaphore_mem>>) src(%dma_wait3A_58 : memref<128x128xf32, #tpu.memory_space<vmem>>) dst(%dma_wait3A_55 : memref<128x128xf32, #tpu.memory_space<vmem_shared>>)
      tpu.yield
    }) : () -> ()
    %mul3A_12 = arith.constant 320 : i32
    %mul3A_13 = arith.muli %arg1, %mul3A_12 : i32
    %add3A_14 = arith.constant 256 : i32
    %add3A_15 = arith.addi %mul3A_13, %add3A_14 : i32
    "tpu.region"() ({
      %run_scoped3A = tpu.sem_alloc : memref<!tpu.dma_semaphore, #tpu.memory_space<semaphore_mem>>
      %dma_start3A = arith.constant 0 : i32
      %dma_start3A_41 = arith.constant 0 : i32
      %dma_start3A_42 = tpu.memref_slice %arg9[%dma_start3A, %dma_start3A_41] : memref<128x128xf32, #tpu.memory_space<vmem>> -> memref<64x128xf32, #tpu.memory_space<vmem>>
      %dma_start3A_43 = arith.constant 0 : i32
      %dma_start3A_44 = tpu.memref_slice %arg10[%add3A_15, %dma_start3A_43] : memref<5120x128xf32, #tpu.memory_space<vmem_shared>> -> memref<64x128xf32, #tpu.memory_space<vmem_shared>>
      %dma_start3A_45 = arith.constant 0 : i32
      %dma_start3A_46 = tpu.memref_slice %arg10[%add3A_15, %dma_start3A_45] : memref<5120x128xf32, #tpu.memory_space<vmem_shared>> -> memref<64x128xf32, #tpu.memory_space<vmem_shared>>
      %dma_start3A_47 = arith.constant 0 : i32
      %dma_start3A_48 = arith.constant 0 : i32
      %dma_start3A_49 = tpu.memref_slice %arg9[%dma_start3A_47, %dma_start3A_48] : memref<128x128xf32, #tpu.memory_space<vmem>> -> memref<64x128xf32, #tpu.memory_space<vmem>>
      tpu.enqueue_dma source(%dma_start3A_49 : memref<64x128xf32, #tpu.memory_space<vmem>>) target(%dma_start3A_46 : memref<64x128xf32, #tpu.memory_space<vmem_shared>>) target_semaphore(%run_scoped3A : memref<!tpu.dma_semaphore, #tpu.memory_space<semaphore_mem>>)
      %dma_wait3A = arith.constant 0 : i32
      %dma_wait3A_50 = arith.constant 0 : i32
      %dma_wait3A_51 = tpu.memref_slice %arg9[%dma_wait3A, %dma_wait3A_50] : memref<128x128xf32, #tpu.memory_space<vmem>> -> memref<64x128xf32, #tpu.memory_space<vmem>>
      %dma_wait3A_52 = arith.constant 0 : i32
      %dma_wait3A_53 = tpu.memref_slice %arg10[%add3A_15, %dma_wait3A_52] : memref<5120x128xf32, #tpu.memory_space<vmem_shared>> -> memref<64x128xf32, #tpu.memory_space<vmem_shared>>
      %dma_wait3A_54 = arith.constant 0 : i32
      %dma_wait3A_55 = tpu.memref_slice %arg10[%add3A_15, %dma_wait3A_54] : memref<5120x128xf32, #tpu.memory_space<vmem_shared>> -> memref<64x128xf32, #tpu.memory_space<vmem_shared>>
      %dma_wait3A_56 = arith.constant 0 : i32
      %dma_wait3A_57 = arith.constant 0 : i32
      %dma_wait3A_58 = tpu.memref_slice %arg9[%dma_wait3A_56, %dma_wait3A_57] : memref<128x128xf32, #tpu.memory_space<vmem>> -> memref<64x128xf32, #tpu.memory_space<vmem>>
      tpu.wait_dma2 semaphore(%run_scoped3A : memref<!tpu.dma_semaphore, #tpu.memory_space<semaphore_mem>>) src(%dma_wait3A_58 : memref<64x128xf32, #tpu.memory_space<vmem>>) dst(%dma_wait3A_55 : memref<64x128xf32, #tpu.memory_space<vmem_shared>>)
      tpu.yield
    }) : () -> ()
    %barrier3A = arith.constant 0 : index
    tpu.barrier barrier_id(%barrier3A)
    %mul3A_16 = arith.constant 160 : i32
    %mul3A_17 = arith.muli %arg1, %mul3A_16 : i32
    "tpu.region"() ({
      %run_scoped3A = tpu.sem_alloc : memref<!tpu.dma_semaphore, #tpu.memory_space<semaphore_mem>>
      %dma_start3A = arith.constant 0 : i32
      %dma_start3A_41 = tpu.memref_slice %arg3[%mul3A_17, %dma_start3A] : memref<2560x128xi32, #tpu.memory_space<hbm>> -> memref<160x128xi32, #tpu.memory_space<hbm>>
      %dma_start3A_42 = arith.constant 0 : i32
      %dma_start3A_43 = tpu.memref_slice %arg3[%mul3A_17, %dma_start3A_42] : memref<2560x128xi32, #tpu.memory_space<hbm>> -> memref<160x128xi32, #tpu.memory_space<hbm>>
      tpu.enqueue_dma source(%dma_start3A_43 : memref<160x128xi32, #tpu.memory_space<hbm>>) target(%arg6 : memref<160x128xi32, #tpu.memory_space<vmem>>) target_semaphore(%run_scoped3A : memref<!tpu.dma_semaphore, #tpu.memory_space<semaphore_mem>>)
      %dma_wait3A = arith.constant 0 : i32
      %dma_wait3A_44 = tpu.memref_slice %arg3[%mul3A_17, %dma_wait3A] : memref<2560x128xi32, #tpu.memory_space<hbm>> -> memref<160x128xi32, #tpu.memory_space<hbm>>
      %dma_wait3A_45 = arith.constant 0 : i32
      %dma_wait3A_46 = tpu.memref_slice %arg3[%mul3A_17, %dma_wait3A_45] : memref<2560x128xi32, #tpu.memory_space<hbm>> -> memref<160x128xi32, #tpu.memory_space<hbm>>
      tpu.wait_dma2 semaphore(%run_scoped3A : memref<!tpu.dma_semaphore, #tpu.memory_space<semaphore_mem>>) src(%dma_wait3A_46 : memref<160x128xi32, #tpu.memory_space<hbm>>) dst(%arg6 : memref<160x128xi32, #tpu.memory_space<vmem>>)
      tpu.yield
    }) : () -> ()
    %mul3A_18 = arith.constant 160 : i32
    %mul3A_19 = arith.muli %arg1, %mul3A_18 : i32
    "tpu.region"() ({
      %run_scoped3A = tpu.sem_alloc : memref<!tpu.dma_semaphore, #tpu.memory_space<semaphore_mem>>
      %dma_start3A = arith.constant 0 : i32
      %dma_start3A_41 = tpu.memref_slice %arg4[%mul3A_19, %dma_start3A] : memref<2560x128xi32, #tpu.memory_space<hbm>> -> memref<160x128xi32, #tpu.memory_space<hbm>>
      %dma_start3A_42 = arith.constant 0 : i32
      %dma_start3A_43 = tpu.memref_slice %arg4[%mul3A_19, %dma_start3A_42] : memref<2560x128xi32, #tpu.memory_space<hbm>> -> memref<160x128xi32, #tpu.memory_space<hbm>>
      tpu.enqueue_dma source(%dma_start3A_43 : memref<160x128xi32, #tpu.memory_space<hbm>>) target(%arg7 : memref<160x128xi32, #tpu.memory_space<vmem>>) target_semaphore(%run_scoped3A : memref<!tpu.dma_semaphore, #tpu.memory_space<semaphore_mem>>)
      %dma_wait3A = arith.constant 0 : i32
      %dma_wait3A_44 = tpu.memref_slice %arg4[%mul3A_19, %dma_wait3A] : memref<2560x128xi32, #tpu.memory_space<hbm>> -> memref<160x128xi32, #tpu.memory_space<hbm>>
      %dma_wait3A_45 = arith.constant 0 : i32
      %dma_wait3A_46 = tpu.memref_slice %arg4[%mul3A_19, %dma_wait3A_45] : memref<2560x128xi32, #tpu.memory_space<hbm>> -> memref<160x128xi32, #tpu.memory_space<hbm>>
      tpu.wait_dma2 semaphore(%run_scoped3A : memref<!tpu.dma_semaphore, #tpu.memory_space<semaphore_mem>>) src(%dma_wait3A_46 : memref<160x128xi32, #tpu.memory_space<hbm>>) dst(%arg7 : memref<160x128xi32, #tpu.memory_space<vmem>>)
      tpu.yield
    }) : () -> ()
    %iota3A = tpu.iota {dimensions = array<i32: 0>} : vector<16xi32>
    %mul3A_20 = arith.constant 5000 : i32
    %mul3A_21 = arith.muli %arg0, %mul3A_20 : i32
    %scan3A_22 = arith.constant 0 : i32
    %scan3A_23 = arith.constant 0 : i32
    %scan3A_24 = arith.constant 1280 : i32
    %scan3A_25 = arith.addi %scan3A_23, %scan3A_24 : i32
    %scan3A_26 = arith.constant 1 : i32
    %scan3A_27 = scf.for %scan3A_41 = %scan3A_23 to %scan3A_25 step %scan3A_26 iter_args(%scan3A_42 = %scan3A_22) -> (i32)  : i32 {
      %jit3A = arith.constant 8 : i32
      %div3A = arith.divsi %scan3A_41, %jit3A : i32
      %sign3A = arith.constant 0 : i32
      %sign3A_43 = arith.cmpi sgt, %scan3A_41, %sign3A : i32
      %sign3A_44 = arith.extui %sign3A_43 : i1 to i32
      %sign3A_45 = arith.constant 0 : i32
      %sign3A_46 = arith.cmpi slt, %scan3A_41, %sign3A_45 : i32
      %sign3A_47 = arith.extui %sign3A_46 : i1 to i32
      %sign3A_48 = arith.subi %sign3A_44, %sign3A_47 : i32
      %sign3A_49 = arith.constant 0 : i32
      %sign3A_50 = arith.cmpi sgt, %jit3A, %sign3A_49 : i32
      %sign3A_51 = arith.extui %sign3A_50 : i1 to i32
      %sign3A_52 = arith.constant 0 : i32
      %sign3A_53 = arith.cmpi slt, %jit3A, %sign3A_52 : i32
      %sign3A_54 = arith.extui %sign3A_53 : i1 to i32
      %sign3A_55 = arith.subi %sign3A_51, %sign3A_54 : i32
      %ne3A = arith.cmpi ne, %sign3A_48, %sign3A_55 : i32
      %rem3A = arith.remsi %scan3A_41, %jit3A : i32
      %ne3A_56 = arith.constant 0 : i32
      %ne3A_57 = arith.cmpi ne, %rem3A, %ne3A_56 : i32
      %and3A = arith.andi %ne3A, %ne3A_57 : i1
      %sub3A = arith.constant 1 : i32
      %sub3A_58 = arith.subi %div3A, %sub3A : i32
      %select_n3A = arith.select %and3A, %sub3A_58, %div3A : i32
      %jit3A_59 = arith.constant 8 : i32
      %eq3A = arith.constant 0 : i32
      %eq3A_60 = arith.cmpi eq, %jit3A_59, %eq3A : i32
      %jit3A_61 = arith.constant 1 : i32
      %select_n3A_62 = arith.select %eq3A_60, %jit3A_61, %jit3A_59 : i32
      %rem3A_63 = arith.remsi %scan3A_41, %select_n3A_62 : i32
      %ne3A_64 = arith.constant 0 : i32
      %ne3A_65 = arith.cmpi ne, %rem3A_63, %ne3A_64 : i32
      %lt3A = arith.constant 0 : i32
      %lt3A_66 = arith.cmpi slt, %rem3A_63, %lt3A : i32
      %lt3A_67 = arith.constant 0 : i32
      %lt3A_68 = arith.cmpi slt, %select_n3A_62, %lt3A_67 : i32
      %ne3A_69 = arith.xori %lt3A_66, %lt3A_68 : i1
      %and3A_70 = arith.andi %ne3A_69, %ne3A_65 : i1
      %add3A_71 = arith.addi %rem3A_63, %select_n3A_62 : i32
      %select_n3A_72 = arith.select %and3A_70, %add3A_71, %rem3A_63 : i32
      %mul3A_73 = arith.constant 16 : i32
      %mul3A_74 = arith.muli %select_n3A_72, %mul3A_73 : i32
      %get3A = arith.index_cast %select_n3A : i32 to index
      %get3A_75 = arith.index_cast %mul3A_74 : i32 to index
      %get3A_76 = tpu.vector_load %arg7[%get3A, %get3A_75] {strides = array<i32>} : memref<160x128xi32, #tpu.memory_space<vmem>>, vector<1x16xi32>,
      %get3A_77 = vector.shape_cast %get3A_76 : vector<1x16xi32> to vector<16xi32>
      %sub3A_78 = vector.broadcast %mul3A_21 : i32 to vector<16xi32>
      %sub3A_79 = arith.subi %get3A_77, %sub3A_78 : vector<16xi32>
      %ge3A = arith.constant 0 : i32
      %ge3A_80 = vector.broadcast %ge3A : i32 to vector<16xi32>
      %ge3A_81 = arith.cmpi sge, %sub3A_79, %ge3A_80 : vector<16xi32>
      %lt3A_82 = arith.constant 5000 : i32
      %lt3A_83 = vector.broadcast %lt3A_82 : i32 to vector<16xi32>
      %lt3A_84 = arith.cmpi slt, %sub3A_79, %lt3A_83 : vector<16xi32>
      %and3A_85 = arith.andi %ge3A_81, %lt3A_84 : vector<16xi1>
      %rem3A_86 = arith.constant 104 : i32
      %rem3A_87 = arith.remsi %scan3A_41, %rem3A_86 : i32
      %add3A_88 = arith.constant 5000 : i32
      %add3A_89 = arith.addi %add3A_88, %rem3A_87 : i32
      %add3A_90 = vector.broadcast %add3A_89 : i32 to vector<16xi32>
      %add3A_91 = arith.addi %add3A_90, %iota3A : vector<16xi32>
      %select_n3A_92 = arith.select %and3A_85, %sub3A_79, %add3A_91 : vector<16xi1>, vector<16xi32>
      %mul3A_93 = arith.constant 16 : i32
      %mul3A_94 = arith.muli %select_n3A_72, %mul3A_93 : i32
      %swap3A = arith.index_cast %select_n3A : i32 to index
      %swap3A_95 = arith.index_cast %mul3A_94 : i32 to index
      %swap3A_96 = tpu.vector_load %arg7[%swap3A, %swap3A_95] {strides = array<i32>} : memref<160x128xi32, #tpu.memory_space<vmem>>, vector<1x16xi32>,
      %swap3A_97 = vector.shape_cast %swap3A_96 : vector<1x16xi32> to vector<16xi32>
      %swap3A_98 = vector.shape_cast %select_n3A_92 : vector<16xi32> to vector<1x16xi32>
      tpu.vector_store %arg7[%swap3A, %swap3A_95], %swap3A_98 {strides = array<i32>} : memref<160x128xi32, #tpu.memory_space<vmem>>, vector<1x16xi32>,
      %scan3A_99 = arith.constant 0 : i32
      scf.yield %scan3A_99 : i32
    }
    %scan3A_28 = arith.constant 1280 : i32
    %scan3A_29 = arith.constant 0 : i32
    %scan3A_30 = arith.constant 0 : i32
    %scan3A_31 = arith.constant 160 : i32
    %scan3A_32 = arith.addi %scan3A_30, %scan3A_31 : i32
    %scan3A_33 = arith.constant 1 : i32
    %scan3A_34 = scf.for %scan3A_41 = %scan3A_30 to %scan3A_32 step %scan3A_33 iter_args(%scan3A_42 = %scan3A_29) -> (i32)  : i32 {
      %dma_start3A = arith.constant 0 : i32
      %dma_start3A_43 = tpu.memref_slice %arg6[%scan3A_41, %dma_start3A] : memref<160x128xi32, #tpu.memory_space<vmem>> -> memref<1x128xi32, #tpu.memory_space<vmem>>
      %dma_start3A_44 = tpu.memref_squeeze %dma_start3A_43 : memref<1x128xi32, #tpu.memory_space<vmem>> -> memref<128xi32, #tpu.memory_space<vmem>>
      %dma_start3A_45 = arith.constant 0 : i32
      %dma_start3A_46 = arith.constant 0 : i32
      %dma_start3A_47 = tpu.memref_slice %arg2[%dma_start3A_45, %dma_start3A_46] : memref<10000x128xf32, #tpu.memory_space<hbm>> -> memref<10000x128xf32, #tpu.memory_space<hbm>>
      tpu.enqueue_indirect_dma source(%dma_start3A_47 : memref<10000x128xf32, #tpu.memory_space<hbm>>) target(%arg8 : memref<128x128xf32, #tpu.memory_space<vmem>>) offsets(%dma_start3A_44 : memref<128xi32, #tpu.memory_space<vmem>>) semaphore(%arg11 : memref<!tpu.dma_semaphore, #tpu.memory_space<semaphore_mem>>)
      %dma_wait3A = arith.constant 0 : i32
      %dma_wait3A_48 = tpu.memref_slice %arg6[%scan3A_41, %dma_wait3A] : memref<160x128xi32, #tpu.memory_space<vmem>> -> memref<1x128xi32, #tpu.memory_space<vmem>>
      %dma_wait3A_49 = tpu.memref_squeeze %dma_wait3A_48 : memref<1x128xi32, #tpu.memory_space<vmem>> -> memref<128xi32, #tpu.memory_space<vmem>>
      %dma_wait3A_50 = arith.constant 0 : i32
      %dma_wait3A_51 = arith.constant 0 : i32
      %dma_wait3A_52 = tpu.memref_slice %arg2[%dma_wait3A_50, %dma_wait3A_51] : memref<10000x128xf32, #tpu.memory_space<hbm>> -> memref<10000x128xf32, #tpu.memory_space<hbm>>
      tpu.wait_indirect_dma semaphore(%arg11 : memref<!tpu.dma_semaphore, #tpu.memory_space<semaphore_mem>>) src(%dma_wait3A_52 : memref<10000x128xf32, #tpu.memory_space<hbm>>) dst(%arg8 : memref<128x128xf32, #tpu.memory_space<vmem>>)
      "tpu.region"() ({
        %run_scoped3A = tpu.sem_alloc : memref<!tpu.dma_semaphore, #tpu.memory_space<semaphore_mem>>
        %dma_start3A_54 = arith.constant 0 : i32
        %dma_start3A_55 = tpu.memref_slice %arg7[%scan3A_41, %dma_start3A_54] : memref<160x128xi32, #tpu.memory_space<vmem>> -> memref<1x128xi32, #tpu.memory_space<vmem>>
        %dma_start3A_56 = tpu.memref_squeeze %dma_start3A_55 : memref<1x128xi32, #tpu.memory_space<vmem>> -> memref<128xi32, #tpu.memory_space<vmem>>
        %dma_start3A_57 = arith.constant 0 : i32
        %dma_start3A_58 = arith.constant 0 : i32
        %dma_start3A_59 = tpu.memref_slice %arg10[%dma_start3A_57, %dma_start3A_58] : memref<5120x128xf32, #tpu.memory_space<vmem_shared>> -> memref<5120x128xf32, #tpu.memory_space<vmem_shared>>
        tpu.enqueue_indirect_dma source(%arg8 : memref<128x128xf32, #tpu.memory_space<vmem>>) target(%dma_start3A_59 : memref<5120x128xf32, #tpu.memory_space<vmem_shared>>) offsets(%dma_start3A_56 : memref<128xi32, #tpu.memory_space<vmem>>) semaphore(%run_scoped3A : memref<!tpu.dma_semaphore, #tpu.memory_space<semaphore_mem>>) {add = true}
        %dma_wait3A_60 = arith.constant 0 : i32
        %dma_wait3A_61 = tpu.memref_slice %arg7[%scan3A_41, %dma_wait3A_60] : memref<160x128xi32, #tpu.memory_space<vmem>> -> memref<1x128xi32, #tpu.memory_space<vmem>>
        %dma_wait3A_62 = tpu.memref_squeeze %dma_wait3A_61 : memref<1x128xi32, #tpu.memory_space<vmem>> -> memref<128xi32, #tpu.memory_space<vmem>>
        %dma_wait3A_63 = arith.constant 0 : i32
        %dma_wait3A_64 = arith.constant 0 : i32
        %dma_wait3A_65 = tpu.memref_slice %arg10[%dma_wait3A_63, %dma_wait3A_64] : memref<5120x128xf32, #tpu.memory_space<vmem_shared>> -> memref<5120x128xf32, #tpu.memory_space<vmem_shared>>
        tpu.wait_indirect_dma semaphore(%run_scoped3A : memref<!tpu.dma_semaphore, #tpu.memory_space<semaphore_mem>>) src(%arg8 : memref<128x128xf32, #tpu.memory_space<vmem>>) dst(%dma_wait3A_65 : memref<5120x128xf32, #tpu.memory_space<vmem_shared>>)
        tpu.yield
      }) : () -> ()
      %scan3A_53 = arith.constant 0 : i32
      scf.yield %scan3A_53 : i32
    }
    %scan3A_35 = arith.constant 160 : i32
    %barrier3A_36 = arith.constant 0 : index
    tpu.barrier barrier_id(%barrier3A_36)
    %mul3A_37 = arith.constant 320 : i32
    %mul3A_38 = arith.muli %arg1, %mul3A_37 : i32
    %mul3A_39 = arith.constant 320 : i32
    %mul3A_40 = arith.muli %arg1, %mul3A_39 : i32
    "tpu.region"() ({
      %run_scoped3A = tpu.sem_alloc : memref<!tpu.dma_semaphore, #tpu.memory_space<semaphore_mem>>
      %dma_start3A = arith.constant 0 : i32
      %dma_start3A_41 = tpu.memref_slice %arg5[%arg0, %mul3A_40, %dma_start3A] : memref<2x5120x128xf32, #tpu.memory_space<hbm>> -> memref<1x320x128xf32, #tpu.memory_space<hbm>>
      %dma_start3A_42 = tpu.memref_squeeze %dma_start3A_41 : memref<1x320x128xf32, #tpu.memory_space<hbm>> -> memref<320x128xf32, #tpu.memory_space<hbm>>
      %dma_start3A_43 = arith.constant 0 : i32
      %dma_start3A_44 = tpu.memref_slice %arg10[%mul3A_38, %dma_start3A_43] : memref<5120x128xf32, #tpu.memory_space<vmem_shared>> -> memref<320x128xf32, #tpu.memory_space<vmem_shared>>
      tpu.enqueue_dma source(%dma_start3A_44 : memref<320x128xf32, #tpu.memory_space<vmem_shared>>) target(%dma_start3A_42 : memref<320x128xf32, #tpu.memory_space<hbm>>) target_semaphore(%run_scoped3A : memref<!tpu.dma_semaphore, #tpu.memory_space<semaphore_mem>>)
      %dma_wait3A = arith.constant 0 : i32
      %dma_wait3A_45 = tpu.memref_slice %arg5[%arg0, %mul3A_40, %dma_wait3A] : memref<2x5120x128xf32, #tpu.memory_space<hbm>> -> memref<1x320x128xf32, #tpu.memory_space<hbm>>
      %dma_wait3A_46 = tpu.memref_squeeze %dma_wait3A_45 : memref<1x320x128xf32, #tpu.memory_space<hbm>> -> memref<320x128xf32, #tpu.memory_space<hbm>>
      %dma_wait3A_47 = arith.constant 0 : i32
      %dma_wait3A_48 = tpu.memref_slice %arg10[%mul3A_38, %dma_wait3A_47] : memref<5120x128xf32, #tpu.memory_space<vmem_shared>> -> memref<320x128xf32, #tpu.memory_space<vmem_shared>>
      tpu.wait_dma2 semaphore(%run_scoped3A : memref<!tpu.dma_semaphore, #tpu.memory_space<semaphore_mem>>) src(%dma_wait3A_48 : memref<320x128xf32, #tpu.memory_space<vmem_shared>>) dst(%dma_wait3A_46 : memref<320x128xf32, #tpu.memory_space<hbm>>)
      tpu.yield
    }) : () -> ()
    return
  }
}

#map = affine_map<(d0, d1) -> (0, 0)>
module attributes {stable_mosaic.version = 14 : i64} {
  func.func @hist(%arg0: i32, %arg1: i32, %arg2: memref<2560x128xi32, #tpu.memory_space<hbm>>, %arg3: memref<2x10240xf32, #tpu.memory_space<hbm>>, %arg4: memref<80x128xi32, #tpu.memory_space<vmem>>, %arg5: memref<128xf32, #tpu.memory_space<vmem>>, %arg6: memref<640xf32, #tpu.memory_space<vmem>>, %arg7: memref<10240xf32, #tpu.memory_space<vmem_shared>>, %arg8: memref<!tpu.dma_semaphore, #tpu.memory_space<semaphore_mem>>) attributes {dimension_semantics = [#tpu.dimension_semantics<core_parallel>, #tpu.dimension_semantics<subcore_parallel>], iteration_bounds = array<i64: 2, 16>, scalar_prefetch = 0 : i64, scratch_operands = 5 : i64, tpu.core_type = #tpu.core_type<sc_vector_subcore>, window_params = [{transform_indices = #map}, {transform_indices = #map}]} {
    %mul3A = arith.constant 16 : i32
    %mul3A_0 = arith.muli %arg0, %mul3A : i32
    %add3A = arith.addi %mul3A_0, %arg1 : i32
    %broadcast_in_dim3A = arith.constant 1.000000e+00 : f32
    %broadcast_in_dim3A_1 = vector.broadcast %broadcast_in_dim3A : f32 to vector<16xf32>
    %swap3A = arith.constant 0 : index
    %swap3A_2 = tpu.vector_load %arg5[%swap3A] {strides = array<i32>} : memref<128xf32, #tpu.memory_space<vmem>>, vector<16xf32>,
    %swap3A_3 = vector.shape_cast %swap3A_2 : vector<16xf32> to vector<16xf32>
    %swap3A_4 = vector.shape_cast %broadcast_in_dim3A_1 : vector<16xf32> to vector<16xf32>
    tpu.vector_store %arg5[%swap3A], %swap3A_4 {strides = array<i32>} : memref<128xf32, #tpu.memory_space<vmem>>, vector<16xf32>,
    %broadcast_in_dim3A_5 = arith.constant 1.000000e+00 : f32
    %broadcast_in_dim3A_6 = vector.broadcast %broadcast_in_dim3A_5 : f32 to vector<16xf32>
    %swap3A_7 = arith.constant 16 : index
    %swap3A_8 = tpu.vector_load %arg5[%swap3A_7] {strides = array<i32>} : memref<128xf32, #tpu.memory_space<vmem>>, vector<16xf32>,
    %swap3A_9 = vector.shape_cast %swap3A_8 : vector<16xf32> to vector<16xf32>
    %swap3A_10 = vector.shape_cast %broadcast_in_dim3A_6 : vector<16xf32> to vector<16xf32>
    tpu.vector_store %arg5[%swap3A_7], %swap3A_10 {strides = array<i32>} : memref<128xf32, #tpu.memory_space<vmem>>, vector<16xf32>,
    %broadcast_in_dim3A_11 = arith.constant 1.000000e+00 : f32
    %broadcast_in_dim3A_12 = vector.broadcast %broadcast_in_dim3A_11 : f32 to vector<16xf32>
    %swap3A_13 = arith.constant 32 : index
    %swap3A_14 = tpu.vector_load %arg5[%swap3A_13] {strides = array<i32>} : memref<128xf32, #tpu.memory_space<vmem>>, vector<16xf32>,
    %swap3A_15 = vector.shape_cast %swap3A_14 : vector<16xf32> to vector<16xf32>
    %swap3A_16 = vector.shape_cast %broadcast_in_dim3A_12 : vector<16xf32> to vector<16xf32>
    tpu.vector_store %arg5[%swap3A_13], %swap3A_16 {strides = array<i32>} : memref<128xf32, #tpu.memory_space<vmem>>, vector<16xf32>,
    %broadcast_in_dim3A_17 = arith.constant 1.000000e+00 : f32
    %broadcast_in_dim3A_18 = vector.broadcast %broadcast_in_dim3A_17 : f32 to vector<16xf32>
    %swap3A_19 = arith.constant 48 : index
    %swap3A_20 = tpu.vector_load %arg5[%swap3A_19] {strides = array<i32>} : memref<128xf32, #tpu.memory_space<vmem>>, vector<16xf32>,
    %swap3A_21 = vector.shape_cast %swap3A_20 : vector<16xf32> to vector<16xf32>
    %swap3A_22 = vector.shape_cast %broadcast_in_dim3A_18 : vector<16xf32> to vector<16xf32>
    tpu.vector_store %arg5[%swap3A_19], %swap3A_22 {strides = array<i32>} : memref<128xf32, #tpu.memory_space<vmem>>, vector<16xf32>,
    %broadcast_in_dim3A_23 = arith.constant 1.000000e+00 : f32
    %broadcast_in_dim3A_24 = vector.broadcast %broadcast_in_dim3A_23 : f32 to vector<16xf32>
    %swap3A_25 = arith.constant 64 : index
    %swap3A_26 = tpu.vector_load %arg5[%swap3A_25] {strides = array<i32>} : memref<128xf32, #tpu.memory_space<vmem>>, vector<16xf32>,
    %swap3A_27 = vector.shape_cast %swap3A_26 : vector<16xf32> to vector<16xf32>
    %swap3A_28 = vector.shape_cast %broadcast_in_dim3A_24 : vector<16xf32> to vector<16xf32>
    tpu.vector_store %arg5[%swap3A_25], %swap3A_28 {strides = array<i32>} : memref<128xf32, #tpu.memory_space<vmem>>, vector<16xf32>,
    %broadcast_in_dim3A_29 = arith.constant 1.000000e+00 : f32
    %broadcast_in_dim3A_30 = vector.broadcast %broadcast_in_dim3A_29 : f32 to vector<16xf32>
    %swap3A_31 = arith.constant 80 : index
    %swap3A_32 = tpu.vector_load %arg5[%swap3A_31] {strides = array<i32>} : memref<128xf32, #tpu.memory_space<vmem>>, vector<16xf32>,
    %swap3A_33 = vector.shape_cast %swap3A_32 : vector<16xf32> to vector<16xf32>
    %swap3A_34 = vector.shape_cast %broadcast_in_dim3A_30 : vector<16xf32> to vector<16xf32>
    tpu.vector_store %arg5[%swap3A_31], %swap3A_34 {strides = array<i32>} : memref<128xf32, #tpu.memory_space<vmem>>, vector<16xf32>,
    %broadcast_in_dim3A_35 = arith.constant 1.000000e+00 : f32
    %broadcast_in_dim3A_36 = vector.broadcast %broadcast_in_dim3A_35 : f32 to vector<16xf32>
    %swap3A_37 = arith.constant 96 : index
    %swap3A_38 = tpu.vector_load %arg5[%swap3A_37] {strides = array<i32>} : memref<128xf32, #tpu.memory_space<vmem>>, vector<16xf32>,
    %swap3A_39 = vector.shape_cast %swap3A_38 : vector<16xf32> to vector<16xf32>
    %swap3A_40 = vector.shape_cast %broadcast_in_dim3A_36 : vector<16xf32> to vector<16xf32>
    tpu.vector_store %arg5[%swap3A_37], %swap3A_40 {strides = array<i32>} : memref<128xf32, #tpu.memory_space<vmem>>, vector<16xf32>,
    %broadcast_in_dim3A_41 = arith.constant 1.000000e+00 : f32
    %broadcast_in_dim3A_42 = vector.broadcast %broadcast_in_dim3A_41 : f32 to vector<16xf32>
    %swap3A_43 = arith.constant 112 : index
    %swap3A_44 = tpu.vector_load %arg5[%swap3A_43] {strides = array<i32>} : memref<128xf32, #tpu.memory_space<vmem>>, vector<16xf32>,
    %swap3A_45 = vector.shape_cast %swap3A_44 : vector<16xf32> to vector<16xf32>
    %swap3A_46 = vector.shape_cast %broadcast_in_dim3A_42 : vector<16xf32> to vector<16xf32>
    tpu.vector_store %arg5[%swap3A_43], %swap3A_46 {strides = array<i32>} : memref<128xf32, #tpu.memory_space<vmem>>, vector<16xf32>,
    %scan3A = arith.constant 0 : i32
    %scan3A_47 = arith.constant 0 : i32
    %scan3A_48 = arith.constant 40 : i32
    %scan3A_49 = arith.addi %scan3A_47, %scan3A_48 : i32
    %scan3A_50 = arith.constant 1 : i32
    %scan3A_51 = scf.for %scan3A_69 = %scan3A_47 to %scan3A_49 step %scan3A_50 iter_args(%scan3A_70 = %scan3A) -> (i32)  : i32 {
      %broadcast_in_dim3A_71 = arith.constant 0.000000e+00 : f32
      %broadcast_in_dim3A_72 = vector.broadcast %broadcast_in_dim3A_71 : f32 to vector<16xf32>
      %mul3A_73 = arith.constant 16 : i32
      %mul3A_74 = arith.muli %scan3A_69, %mul3A_73 : i32
      %swap3A_75 = arith.index_cast %mul3A_74 : i32 to index
      %swap3A_76 = tpu.vector_load %arg6[%swap3A_75] {strides = array<i32>} : memref<640xf32, #tpu.memory_space<vmem>>, vector<16xf32>,
      %swap3A_77 = vector.shape_cast %swap3A_76 : vector<16xf32> to vector<16xf32>
      %swap3A_78 = vector.shape_cast %broadcast_in_dim3A_72 : vector<16xf32> to vector<16xf32>
      tpu.vector_store %arg6[%swap3A_75], %swap3A_78 {strides = array<i32>} : memref<640xf32, #tpu.memory_space<vmem>>, vector<16xf32>,
      %scan3A_79 = arith.constant 0 : i32
      scf.yield %scan3A_79 : i32
    }
    %scan3A_52 = arith.constant 40 : i32
    %mul3A_53 = arith.constant 640 : i32
    %mul3A_54 = arith.muli %arg1, %mul3A_53 : i32
    "tpu.region"() ({
      %run_scoped3A = tpu.sem_alloc : memref<!tpu.dma_semaphore, #tpu.memory_space<semaphore_mem>>
      %dma_start3A = tpu.memref_slice %arg7[%mul3A_54] : memref<10240xf32, #tpu.memory_space<vmem_shared>> -> memref<640xf32, #tpu.memory_space<vmem_shared>>
      %dma_start3A_69 = tpu.memref_slice %arg7[%mul3A_54] : memref<10240xf32, #tpu.memory_space<vmem_shared>> -> memref<640xf32, #tpu.memory_space<vmem_shared>>
      tpu.enqueue_dma source(%arg6 : memref<640xf32, #tpu.memory_space<vmem>>) target(%dma_start3A_69 : memref<640xf32, #tpu.memory_space<vmem_shared>>) target_semaphore(%run_scoped3A : memref<!tpu.dma_semaphore, #tpu.memory_space<semaphore_mem>>)
      %dma_wait3A = tpu.memref_slice %arg7[%mul3A_54] : memref<10240xf32, #tpu.memory_space<vmem_shared>> -> memref<640xf32, #tpu.memory_space<vmem_shared>>
      %dma_wait3A_70 = tpu.memref_slice %arg7[%mul3A_54] : memref<10240xf32, #tpu.memory_space<vmem_shared>> -> memref<640xf32, #tpu.memory_space<vmem_shared>>
      tpu.wait_dma2 semaphore(%run_scoped3A : memref<!tpu.dma_semaphore, #tpu.memory_space<semaphore_mem>>) src(%arg6 : memref<640xf32, #tpu.memory_space<vmem>>) dst(%dma_wait3A_70 : memref<640xf32, #tpu.memory_space<vmem_shared>>)
      tpu.yield
    }) : () -> ()
    %barrier3A = arith.constant 0 : index
    tpu.barrier barrier_id(%barrier3A)
    %mul3A_55 = arith.constant 80 : i32
    %mul3A_56 = arith.muli %add3A, %mul3A_55 : i32
    "tpu.region"() ({
      %run_scoped3A = tpu.sem_alloc : memref<!tpu.dma_semaphore, #tpu.memory_space<semaphore_mem>>
      %dma_start3A = arith.constant 0 : i32
      %dma_start3A_69 = tpu.memref_slice %arg2[%mul3A_56, %dma_start3A] : memref<2560x128xi32, #tpu.memory_space<hbm>> -> memref<80x128xi32, #tpu.memory_space<hbm>>
      %dma_start3A_70 = arith.constant 0 : i32
      %dma_start3A_71 = tpu.memref_slice %arg2[%mul3A_56, %dma_start3A_70] : memref<2560x128xi32, #tpu.memory_space<hbm>> -> memref<80x128xi32, #tpu.memory_space<hbm>>
      tpu.enqueue_dma source(%dma_start3A_71 : memref<80x128xi32, #tpu.memory_space<hbm>>) target(%arg4 : memref<80x128xi32, #tpu.memory_space<vmem>>) target_semaphore(%run_scoped3A : memref<!tpu.dma_semaphore, #tpu.memory_space<semaphore_mem>>)
      %dma_wait3A = arith.constant 0 : i32
      %dma_wait3A_72 = tpu.memref_slice %arg2[%mul3A_56, %dma_wait3A] : memref<2560x128xi32, #tpu.memory_space<hbm>> -> memref<80x128xi32, #tpu.memory_space<hbm>>
      %dma_wait3A_73 = arith.constant 0 : i32
      %dma_wait3A_74 = tpu.memref_slice %arg2[%mul3A_56, %dma_wait3A_73] : memref<2560x128xi32, #tpu.memory_space<hbm>> -> memref<80x128xi32, #tpu.memory_space<hbm>>
      tpu.wait_dma2 semaphore(%run_scoped3A : memref<!tpu.dma_semaphore, #tpu.memory_space<semaphore_mem>>) src(%dma_wait3A_74 : memref<80x128xi32, #tpu.memory_space<hbm>>) dst(%arg4 : memref<80x128xi32, #tpu.memory_space<vmem>>)
      tpu.yield
    }) : () -> ()
    %scan3A_57 = arith.constant 0 : i32
    %scan3A_58 = arith.constant 0 : i32
    %scan3A_59 = arith.constant 80 : i32
    %scan3A_60 = arith.addi %scan3A_58, %scan3A_59 : i32
    %scan3A_61 = arith.constant 1 : i32
    %scan3A_62 = scf.for %scan3A_69 = %scan3A_58 to %scan3A_60 step %scan3A_61 iter_args(%scan3A_70 = %scan3A_57) -> (i32)  : i32 {
      "tpu.region"() ({
        %run_scoped3A = tpu.sem_alloc : memref<!tpu.dma_semaphore, #tpu.memory_space<semaphore_mem>>
        %dma_start3A = arith.constant 0 : i32
        %dma_start3A_72 = tpu.memref_slice %arg4[%scan3A_69, %dma_start3A] : memref<80x128xi32, #tpu.memory_space<vmem>> -> memref<1x128xi32, #tpu.memory_space<vmem>>
        %dma_start3A_73 = tpu.memref_squeeze %dma_start3A_72 : memref<1x128xi32, #tpu.memory_space<vmem>> -> memref<128xi32, #tpu.memory_space<vmem>>
        %dma_start3A_74 = arith.constant 0 : i32
        %dma_start3A_75 = tpu.memref_slice %arg7[%dma_start3A_74] : memref<10240xf32, #tpu.memory_space<vmem_shared>> -> memref<10240xf32, #tpu.memory_space<vmem_shared>>
        tpu.enqueue_indirect_dma source(%arg5 : memref<128xf32, #tpu.memory_space<vmem>>) target(%dma_start3A_75 : memref<10240xf32, #tpu.memory_space<vmem_shared>>) offsets(%dma_start3A_73 : memref<128xi32, #tpu.memory_space<vmem>>) semaphore(%run_scoped3A : memref<!tpu.dma_semaphore, #tpu.memory_space<semaphore_mem>>) {add = true}
        %dma_wait3A = arith.constant 0 : i32
        %dma_wait3A_76 = tpu.memref_slice %arg4[%scan3A_69, %dma_wait3A] : memref<80x128xi32, #tpu.memory_space<vmem>> -> memref<1x128xi32, #tpu.memory_space<vmem>>
        %dma_wait3A_77 = tpu.memref_squeeze %dma_wait3A_76 : memref<1x128xi32, #tpu.memory_space<vmem>> -> memref<128xi32, #tpu.memory_space<vmem>>
        %dma_wait3A_78 = arith.constant 0 : i32
        %dma_wait3A_79 = tpu.memref_slice %arg7[%dma_wait3A_78] : memref<10240xf32, #tpu.memory_space<vmem_shared>> -> memref<10240xf32, #tpu.memory_space<vmem_shared>>
        tpu.wait_indirect_dma semaphore(%run_scoped3A : memref<!tpu.dma_semaphore, #tpu.memory_space<semaphore_mem>>) src(%arg5 : memref<128xf32, #tpu.memory_space<vmem>>) dst(%dma_wait3A_79 : memref<10240xf32, #tpu.memory_space<vmem_shared>>)
        tpu.yield
      }) : () -> ()
      %scan3A_71 = arith.constant 0 : i32
      scf.yield %scan3A_71 : i32
    }
    %scan3A_63 = arith.constant 80 : i32
    %barrier3A_64 = arith.constant 0 : index
    tpu.barrier barrier_id(%barrier3A_64)
    %mul3A_65 = arith.constant 640 : i32
    %mul3A_66 = arith.muli %arg1, %mul3A_65 : i32
    %mul3A_67 = arith.constant 640 : i32
    %mul3A_68 = arith.muli %arg1, %mul3A_67 : i32
    "tpu.region"() ({
      %run_scoped3A = tpu.sem_alloc : memref<!tpu.dma_semaphore, #tpu.memory_space<semaphore_mem>>
      %dma_start3A = tpu.memref_slice %arg3[%arg0, %mul3A_68] : memref<2x10240xf32, #tpu.memory_space<hbm>> -> memref<1x640xf32, #tpu.memory_space<hbm>>
      %dma_start3A_69 = tpu.memref_squeeze %dma_start3A : memref<1x640xf32, #tpu.memory_space<hbm>> -> memref<640xf32, #tpu.memory_space<hbm>>
      %dma_start3A_70 = tpu.memref_slice %arg7[%mul3A_66] : memref<10240xf32, #tpu.memory_space<vmem_shared>> -> memref<640xf32, #tpu.memory_space<vmem_shared>>
      tpu.enqueue_dma source(%dma_start3A_70 : memref<640xf32, #tpu.memory_space<vmem_shared>>) target(%dma_start3A_69 : memref<640xf32, #tpu.memory_space<hbm>>) target_semaphore(%run_scoped3A : memref<!tpu.dma_semaphore, #tpu.memory_space<semaphore_mem>>)
      %dma_wait3A = tpu.memref_slice %arg3[%arg0, %mul3A_68] : memref<2x10240xf32, #tpu.memory_space<hbm>> -> memref<1x640xf32, #tpu.memory_space<hbm>>
      %dma_wait3A_71 = tpu.memref_squeeze %dma_wait3A : memref<1x640xf32, #tpu.memory_space<hbm>> -> memref<640xf32, #tpu.memory_space<hbm>>
      %dma_wait3A_72 = tpu.memref_slice %arg7[%mul3A_66] : memref<10240xf32, #tpu.memory_space<vmem_shared>> -> memref<640xf32, #tpu.memory_space<vmem_shared>>
      tpu.wait_dma2 semaphore(%run_scoped3A : memref<!tpu.dma_semaphore, #tpu.memory_space<semaphore_mem>>) src(%dma_wait3A_72 : memref<640xf32, #tpu.memory_space<vmem_shared>>) dst(%dma_wait3A_71 : memref<640xf32, #tpu.memory_space<hbm>>)
      tpu.yield
    }) : () -> ()
    return
  }
}

module attributes {stable_mosaic.version = 14 : i64} {
  func.func @kern(%arg0: i32, %arg1: memref<1000x128xf32, #tpu.memory_space<vmem>>, %arg2: memref<128x128xf32, #tpu.memory_space<vmem>>, %arg3: memref<1000x1xf32, #tpu.memory_space<vmem>>, %arg4: memref<1000x128xf32, #tpu.memory_space<vmem>>) attributes {dimension_semantics = [#tpu.dimension_semantics<arbitrary>], iteration_bounds = array<i64: 10>, scalar_prefetch = 0 : i64, scratch_operands = 0 : i64, tpu.core_type = #tpu.core_type<tc>, window_params = [{transform_indices = @transform_0, window_bounds = array<i64: 1000, 128>}, {pipeline_mode = #tpu.pipeline_mode<synchronous>, transform_indices = @transform_1, window_bounds = array<i64: 128, 128>}, {transform_indices = @transform_2, window_bounds = array<i64: 1000, 1>}, {transform_indices = @transform_3, window_bounds = array<i64: 1000, 128>}]} {
    %get3A = arith.constant 0 : index
    %get3A_0 = arith.constant 0 : index
    %get3A_1 = vector.load %arg1[%get3A, %get3A_0] : memref<1000x128xf32, #tpu.memory_space<vmem>>, vector<1000x128xf32>
    %get3A_2 = arith.constant 0 : index
    %get3A_3 = arith.constant 0 : index
    %get3A_4 = vector.load %arg2[%get3A_2, %get3A_3] : memref<128x128xf32, #tpu.memory_space<vmem>>, vector<128x128xf32>
    %dot_general3A = arith.constant dense<0.000000e+00> : vector<1000x128xf32>
    %dot_general3A_5 = tpu.matmul %get3A_1, %get3A_4, %dot_general3A {dimension_numbers = #tpu.dot_dimension_numbers<[1], [0], [0], [1], [0, 0, 1, 1], [], []>, transpose_lhs_hint = false} : vector<1000x128xf32>, vector<128x128xf32>, vector<1000x128xf32> -> vector<1000x128xf32>
    %get3A_6 = arith.constant 0 : index
    %get3A_7 = arith.constant 0 : index
    %get3A_8 = vector.load %arg3[%get3A_6, %get3A_7] : memref<1000x1xf32, #tpu.memory_space<vmem>>, vector<1000x1xf32>
    %mul3A = vector.broadcast %get3A_8 : vector<1000x1xf32> to vector<1000x128xf32>
    %mul3A_9 = arith.mulf %dot_general3A_5, %mul3A : vector<1000x128xf32>
    %swap3A = arith.constant 0 : index
    %swap3A_10 = arith.constant 0 : index
    %swap3A_11 = vector.load %arg4[%swap3A, %swap3A_10] : memref<1000x128xf32, #tpu.memory_space<vmem>>, vector<1000x128xf32>
    tpu.vector_store %arg4[%swap3A, %swap3A_10], %mul3A_9 {strides = array<i32>} : memref<1000x128xf32, #tpu.memory_space<vmem>>, vector<1000x128xf32>,
    return
  }
  func.func @transform_0(%arg0: i32) -> (i32, i32) {
    %c0_i32 = arith.constant 0 : i32
    %c0_i32_0 = arith.constant 0 : i32
    return %arg0, %c0_i32 : i32, i32
  }
  func.func @transform_1(%arg0: i32) -> (i32, i32) {
    %c0_i32 = arith.constant 0 : i32
    %c0_i32_0 = arith.constant 0 : i32
    %c0_i32_1 = arith.constant 0 : i32
    return %c0_i32, %c0_i32_0 : i32, i32
  }
  func.func @transform_2(%arg0: i32) -> (i32, i32) {
    %c0_i32 = arith.constant 0 : i32
    %c0_i32_0 = arith.constant 0 : i32
    return %arg0, %c0_i32 : i32, i32
  }
  func.func @transform_3(%arg0: i32) -> (i32, i32) {
    %c0_i32 = arith.constant 0 : i32
    %c0_i32_0 = arith.constant 0 : i32
    return %arg0, %c0_i32 : i32, i32
  }
}

module attributes {stable_mosaic.version = 14 : i64} {
  func.func @kern(%arg0: i32, %arg1: memref<1x1000x128xf32, #tpu.memory_space<vmem>>, %arg2: memref<1000x128xf32, #tpu.memory_space<vmem>>, %arg3: memref<1000x1xf32, #tpu.memory_space<vmem>>, %arg4: memref<1x128xf32, #tpu.memory_space<vmem>>, %arg5: memref<128x128xf32, #tpu.memory_space<vmem>>, %arg6: memref<1x128xf32, #tpu.memory_space<vmem>>, %arg7: memref<1000x128xf32, #tpu.memory_space<vmem>>, %arg8: memref<1000x128xf32, #tpu.memory_space<vmem>>) attributes {dimension_semantics = [#tpu.dimension_semantics<arbitrary>], iteration_bounds = array<i64: 10>, scalar_prefetch = 0 : i64, scratch_operands = 0 : i64, tpu.core_type = #tpu.core_type<tc>, window_params = [{transform_indices = @transform_0, window_bounds = array<i64: 1, 1000, 128>}, {transform_indices = @transform_1, window_bounds = array<i64: 1000, 128>}, {transform_indices = @transform_2, window_bounds = array<i64: 1000, 1>}, {pipeline_mode = #tpu.pipeline_mode<synchronous>, transform_indices = @transform_3, window_bounds = array<i64: 1, 128>}, {pipeline_mode = #tpu.pipeline_mode<synchronous>, transform_indices = @transform_4, window_bounds = array<i64: 128, 128>}, {pipeline_mode = #tpu.pipeline_mode<synchronous>, transform_indices = @transform_5, window_bounds = array<i64: 1, 128>}, {transform_indices = @transform_6, window_bounds = array<i64: 1000, 128>}, {transform_indices = @transform_7, window_bounds = array<i64: 1000, 128>}]} {
    %get3A = arith.constant 0 : index
    %get3A_0 = arith.constant 0 : index
    %get3A_1 = vector.load %arg3[%get3A, %get3A_0] : memref<1000x1xf32, #tpu.memory_space<vmem>>, vector<1000x1xf32>
    %get3A_2 = arith.constant 0 : index
    %get3A_3 = arith.constant 0 : index
    %get3A_4 = arith.constant 0 : index
    %get3A_5 = vector.load %arg1[%get3A_2, %get3A_3, %get3A_4] : memref<1x1000x128xf32, #tpu.memory_space<vmem>>, vector<1x1000x128xf32>
    %get3A_6 = vector.shape_cast %get3A_5 : vector<1x1000x128xf32> to vector<1000x128xf32>
    %get3A_7 = arith.constant 0 : index
    %get3A_8 = arith.constant 0 : index
    %get3A_9 = vector.load %arg2[%get3A_7, %get3A_8] : memref<1000x128xf32, #tpu.memory_space<vmem>>, vector<1000x128xf32>
    %add3A = arith.addf %get3A_6, %get3A_9 : vector<1000x128xf32>
    %mul3A = vector.broadcast %get3A_1 : vector<1000x1xf32> to vector<1000x128xf32>
    %mul3A_10 = arith.mulf %mul3A, %add3A : vector<1000x128xf32>
    %get3A_11 = arith.constant 0 : index
    %get3A_12 = arith.constant 0 : index
    %get3A_13 = vector.load %arg4[%get3A_11, %get3A_12] : memref<1x128xf32, #tpu.memory_space<vmem>>, vector<1x128xf32>
    %add3A_14 = vector.broadcast %get3A_13 : vector<1x128xf32> to vector<1000x128xf32>
    %add3A_15 = arith.addf %mul3A_10, %add3A_14 : vector<1000x128xf32>
    %max3A = arith.constant 0.000000e+00 : f32
    %max3A_16 = vector.broadcast %max3A : f32 to vector<1000x128xf32>
    %max3A_17 = arith.maximumf %add3A_15, %max3A_16 : vector<1000x128xf32>
    %swap3A = arith.constant 0 : index
    %swap3A_18 = arith.constant 0 : index
    %swap3A_19 = vector.load %arg8[%swap3A, %swap3A_18] : memref<1000x128xf32, #tpu.memory_space<vmem>>, vector<1000x128xf32>
    tpu.vector_store %arg8[%swap3A, %swap3A_18], %max3A_17 {strides = array<i32>} : memref<1000x128xf32, #tpu.memory_space<vmem>>, vector<1000x128xf32>,
    %get3A_20 = arith.constant 0 : index
    %get3A_21 = arith.constant 0 : index
    %get3A_22 = vector.load %arg5[%get3A_20, %get3A_21] : memref<128x128xf32, #tpu.memory_space<vmem>>, vector<128x128xf32>
    %dot_general3A = arith.constant dense<0.000000e+00> : vector<1000x128xf32>
    %dot_general3A_23 = tpu.matmul %max3A_17, %get3A_22, %dot_general3A {dimension_numbers = #tpu.dot_dimension_numbers<[1], [0], [0], [1], [0, 0, 1, 1], [], []>, transpose_lhs_hint = false} : vector<1000x128xf32>, vector<128x128xf32>, vector<1000x128xf32> -> vector<1000x128xf32>
    %get3A_24 = arith.constant 0 : index
    %get3A_25 = arith.constant 0 : index
    %get3A_26 = vector.load %arg6[%get3A_24, %get3A_25] : memref<1x128xf32, #tpu.memory_space<vmem>>, vector<1x128xf32>
    %add3A_27 = vector.broadcast %get3A_26 : vector<1x128xf32> to vector<1000x128xf32>
    %add3A_28 = arith.addf %dot_general3A_23, %add3A_27 : vector<1000x128xf32>
    %swap3A_29 = arith.constant 0 : index
    %swap3A_30 = arith.constant 0 : index
    %swap3A_31 = vector.load %arg7[%swap3A_29, %swap3A_30] : memref<1000x128xf32, #tpu.memory_space<vmem>>, vector<1000x128xf32>
    tpu.vector_store %arg7[%swap3A_29, %swap3A_30], %add3A_28 {strides = array<i32>} : memref<1000x128xf32, #tpu.memory_space<vmem>>, vector<1000x128xf32>,
    return
  }
  func.func @transform_0(%arg0: i32) -> (i32, i32, i32) {
    %jit3A = arith.constant 5 : i32
    %div3A = arith.divsi %arg0, %jit3A : i32
    %sign3A = arith.constant 0 : i32
    %sign3A_0 = arith.cmpi sgt, %arg0, %sign3A : i32
    %sign3A_1 = arith.extui %sign3A_0 : i1 to i32
    %sign3A_2 = arith.constant 0 : i32
    %sign3A_3 = arith.cmpi slt, %arg0, %sign3A_2 : i32
    %sign3A_4 = arith.extui %sign3A_3 : i1 to i32
    %sign3A_5 = arith.subi %sign3A_1, %sign3A_4 : i32
    %sign3A_6 = arith.constant 0 : i32
    %sign3A_7 = arith.cmpi sgt, %jit3A, %sign3A_6 : i32
    %sign3A_8 = arith.extui %sign3A_7 : i1 to i32
    %sign3A_9 = arith.constant 0 : i32
    %sign3A_10 = arith.cmpi slt, %jit3A, %sign3A_9 : i32
    %sign3A_11 = arith.extui %sign3A_10 : i1 to i32
    %sign3A_12 = arith.subi %sign3A_8, %sign3A_11 : i32
    %ne3A = arith.cmpi ne, %sign3A_5, %sign3A_12 : i32
    %rem3A = arith.remsi %arg0, %jit3A : i32
    %ne3A_13 = arith.constant 0 : i32
    %ne3A_14 = arith.cmpi ne, %rem3A, %ne3A_13 : i32
    %and3A = arith.andi %ne3A, %ne3A_14 : i1
    %sub3A = arith.constant 1 : i32
    %sub3A_15 = arith.subi %div3A, %sub3A : i32
    %select_n3A = arith.select %and3A, %sub3A_15, %div3A : i32
    %jit3A_16 = arith.constant 5 : i32
    %eq3A = arith.constant 0 : i32
    %eq3A_17 = arith.cmpi eq, %jit3A_16, %eq3A : i32
    %jit3A_18 = arith.constant 1 : i32
    %select_n3A_19 = arith.select %eq3A_17, %jit3A_18, %jit3A_16 : i32
    %rem3A_20 = arith.remsi %arg0, %select_n3A_19 : i32
    %ne3A_21 = arith.constant 0 : i32
    %ne3A_22 = arith.cmpi ne, %rem3A_20, %ne3A_21 : i32
    %lt3A = arith.constant 0 : i32
    %lt3A_23 = arith.cmpi slt, %rem3A_20, %lt3A : i32
    %lt3A_24 = arith.constant 0 : i32
    %lt3A_25 = arith.cmpi slt, %select_n3A_19, %lt3A_24 : i32
    %ne3A_26 = arith.xori %lt3A_23, %lt3A_25 : i1
    %and3A_27 = arith.andi %ne3A_26, %ne3A_22 : i1
    %add3A = arith.addi %rem3A_20, %select_n3A_19 : i32
    %select_n3A_28 = arith.select %and3A_27, %add3A, %rem3A_20 : i32
    %c0_i32 = arith.constant 0 : i32
    %c0_i32_29 = arith.constant 0 : i32
    return %select_n3A, %select_n3A_28, %c0_i32 : i32, i32, i32
  }
  func.func @transform_1(%arg0: i32) -> (i32, i32) {
    %c0_i32 = arith.constant 0 : i32
    %c0_i32_0 = arith.constant 0 : i32
    return %arg0, %c0_i32 : i32, i32
  }
  func.func @transform_2(%arg0: i32) -> (i32, i32) {
    %c0_i32 = arith.constant 0 : i32
    %c0_i32_0 = arith.constant 0 : i32
    return %arg0, %c0_i32 : i32, i32
  }
  func.func @transform_3(%arg0: i32) -> (i32, i32) {
    %c0_i32 = arith.constant 0 : i32
    %c0_i32_0 = arith.constant 0 : i32
    %c0_i32_1 = arith.constant 0 : i32
    return %c0_i32, %c0_i32_0 : i32, i32
  }
  func.func @transform_4(%arg0: i32) -> (i32, i32) {
    %c0_i32 = arith.constant 0 : i32
    %c0_i32_0 = arith.constant 0 : i32
    %c0_i32_1 = arith.constant 0 : i32
    return %c0_i32, %c0_i32_0 : i32, i32
  }
  func.func @transform_5(%arg0: i32) -> (i32, i32) {
    %c0_i32 = arith.constant 0 : i32
    %c0_i32_0 = arith.constant 0 : i32
    %c0_i32_1 = arith.constant 0 : i32
    return %c0_i32, %c0_i32_0 : i32, i32
  }
  func.func @transform_6(%arg0: i32) -> (i32, i32) {
    %c0_i32 = arith.constant 0 : i32
    %c0_i32_0 = arith.constant 0 : i32
    return %arg0, %c0_i32 : i32, i32
  }
  func.func @transform_7(%arg0: i32) -> (i32, i32) {
    %c0_i32 = arith.constant 0 : i32
    %c0_i32_0 = arith.constant 0 : i32
    return %arg0, %c0_i32 : i32, i32
  }
}

</mosaic_0001>

<sc_bundles>
// kernel: kernel.6.cloned.1.call-start
scs
__scs_entry_jumppad:
0x0: {  	(pc) =	sbr.rel $0x88, $3  }
0x1: {  	(tag) =	ssettag $0x0;
	lr =	simm.s32 $0x1  }
0x2: {  	[smem:$0x3F9B] =	sst lr;
	_ =	strace $0xD0000000  }
0x3: {  	_ = 	snop  }
0x4: {  	_ = 	snop  }
0x5: {  	_ = 	snop  }
0x6: {  	_ = 	snop  }
0x7: {  	_ = 	snop  }
__scs_overlays_trampoline_lowered:
0x8: {  	[smem:$0x3FAA] =	sst s0  }
0x9: {  	[smem:$0x3FAB] =	sst s1  }
0xa: {  	[smem:$0x3FAC] =	sst s2  }
0xb: {  	[smem:$0x3FAD] =	sst s3  }
0xc: {  	[smem:$0x3FAE] =	sst s4  }
0xd: {  	[smem:$0x3FAF] =	sst s5  }
0xe: {  	[smem:$0x3FB0] =	sst s6  }
0xf: {  	[smem:$0x3FB1] =	sst s7  }
0x10: {  	[smem:$0x3FB2] =	sst s8  }
0x11: {  	[smem:$0x3FB3] =	sst s9;
	s0 =	simm.s32 @!p0 $0x0  }
0x12: {  	s1 =	sld [smem:$0x3F99];
	s0 =	simm.s32 @p0 $0x1  }
0x13: {  	[smem:$0x3FB4] =	sst s0;
	s0 =	simm.s32 @!p1 $0x0  }
0x14: {  	s2 =	sld [smem:$0x3F98];
	s0 =	simm.s32 @p1 $0x1  }
0x15: {  	[smem:$0x3FB5] =	sst s0;
	s0 =	simm.s32 @!p2 $0x0  }
0x16: {  	s3 =	sld [smem:$0x3FDB];
	s0 =	simm.s32 @p2 $0x1  }
0x17: {  	s4 =	simm.s32 $0x1BF5;
	[smem:$0x3FB7] =	sst s0  }
0x18: {  	s0 =	sld [smem:$0x3F9A];
	_ =	swait.ge [sflag:s4], $0x0  }
0x19: {  	s7 =	sld [smem:$0x3F9B]  }
0x1a: {  	s8 =	sadd.s32 $0xFFFFE003, lr  }
0x1b: {  	s9 =	sadd.s32 $0xFFFFFEF7, lr;
	s5 =	simm.s32 $0xFFFFFFFF;
	p2 =	slt.u32 s8, $0xFFFFF086  }
0x1c: {  	p1 =	slt.u32 s9, $0xF7A;
	s5 =	simm.s32 @!p2 $0x0  }
0x1d: {  	s5 =	simm.s32 @p1 $0x1;
	p0 =	seq.s32 s7, s2  }
0x1e: {  	s7 =	smul.u32 @!p0 $0xF7A, s2;
	p2 =	seq.s32 @!p0 s5, $0x0  }
0x1f: {  	s9 =	smul.u32 $0xF7A, s1;
	s8 =	simm.s32 @!p0 $0x1BF5;
	p2 =	por !p2, p0  }
0x20: {  	[sflag:s8] =	ssyncset.s32 @!p0 $0xFFFFF086;
	s6 =	sadd.s32 @!p0 s3, s7;
	s7 =	simm.s32 @!p0 $0x108  }
0x21: {  	s3 =	sadd.s32 s3, s9;
	s6 =	sadd.s32 @!p0 $0x88, s6;
	s7 =	simm.s32 @p2 $0x1082  }
0x22: {  	[simem:s7], [sflag:s8] =	dma.local @!p0 [hbm:s6], $0xF7A  }
0x23: {  	s9 =	sor.u32 $0xD0000000, s2;
	s6 =	simm.s32 $0x108;
	_ =	swait.ge @!p0 [sflag:s8], $0x0  }
0x24: {  	s3 =	sadd.s32 $0x88, s3;
	s6 =	simm.s32 @!p1 $0x1082;
	[sflag:s4] =	ssyncset.s32 $0xFFFFF086  }
0x25: {  	[simem:s6], [sflag:s4] =	dma.local [hbm:s3], $0xF7A  }
0x26: {  	[smem:$0x3F9B] =	sst s1;
	(tag) =	ssettag s2;
	_ =	strace s9  }
0x27: {  	s1 =	sld [smem:$0x3FAB]  }
0x28: {  	s2 =	sld [smem:$0x3FAC]  }
0x29: {  	s4 =	sld [smem:$0x3FAE]  }
0x2a: {  	p0 =	seq.s32 s5, $0x0;
	s5 =	sld [smem:$0x3FAF]  }
0x2b: {  	s6 =	sld [smem:$0x3FB0]  }
0x2c: {  	s7 =	sld [smem:$0x3FB1]  }
0x2d: {  	s3 =	simm.s32 $0x108;
	s8 =	sld [smem:$0x3FB2]  }
0x2e: {  	s3 =	simm.s32 @!p0 $0x1082;
	s9 =	sld [smem:$0x3FB3]  }
0x2f: {  	lr =	sadd.s32 s0, s3;
	s0 =	sld [smem:$0x3FAA]  }
0x30: {  	s3 =	sld [smem:$0x3FAD]  }
0x31: {  	[smem:$0x3FB6] =	sst s10  }
0x32: {  	s10 =	sld [smem:$0x3FB4];
	_ =	sdelay $0x3  }
0x33: {  	p0 =	seq.s32 s10, $0x1;
	s10 =	sld [smem:$0x3FB6];
	_ =	sdelay $0x3  }
0x34: {  	[smem:$0x3FB6] =	sst s10  }
0x35: {  	s10 =	sld [smem:$0x3FB5];
	_ =	sdelay $0x3  }
0x36: {  	p1 =	seq.s32 s10, $0x1;
	s10 =	sld [smem:$0x3FB6];
	_ =	sdelay $0x3  }
0x37: {  	[smem:$0x3FB6] =	sst s10  }
0x38: {  	s10 =	sld [smem:$0x3FB7]  }
0x39: {  	_ = 	snop;
	(pc) =	sbr.ind lr, $3  }
0x3a: {  	_ = 	snop  }
0x3b: {  	_ = 	snop  }
0x3c: {  	p2 =	seq.s32 s10, $0x1;
	s10 =	sld [smem:$0x3FB6]  }
0x3d: {  	_ =	shalt  }
0x3e: {  	_ =	shalt  }
0x3f: {  	_ =	shalt  }
0x40: {  	_ =	shalt  }
0x41: {  	_ =	shalt  }
0x42: {  	_ =	shalt  }
0x43: {  	_ =	shalt  }
0x44: {  	_ =	shalt  }
0x45: {  	_ =	shalt  }
0x46: {  	_ =	shalt  }
0x47: {  	_ =	shalt  }
0x48: {  	_ =	shalt  }
0x49: {  	_ =	shalt  }
0x4a: {  	_ =	shalt  }
0x4b: {  	_ =	shalt  }
0x4c: {  	_ =	shalt  }
0x4d: {  	_ =	shalt  }
0x4e: {  	_ =	shalt  }
0x4f: {  	_ =	shalt  }
0x50: {  	_ =	shalt  }
0x51: {  	_ =	shalt  }
0x52: {  	_ =	shalt  }
0x53: {  	_ =	shalt  }
0x54: {  	_ =	shalt  }
0x55: {  	_ =	shalt  }
0x56: {  	_ =	shalt  }
0x57: {  	_ =	shalt  }
0x58: {  	_ =	shalt  }
0x59: {  	_ =	shalt  }
0x5a: {  	_ =	shalt  }
0x5b: {  	_ =	shalt  }
0x5c: {  	_ =	shalt  }
0x5d: {  	_ =	shalt  }
0x5e: {  	_ =	shalt  }
0x5f: {  	_ =	shalt  }
0x60: {  	_ =	shalt  }
0x61: {  	_ =	shalt  }
0x62: {  	_ =	shalt  }
0x63: {  	_ =	shalt  }
0x64: {  	_ =	shalt  }
0x65: {  	_ =	shalt  }
0x66: {  	_ =	shalt  }
0x67: {  	_ =	shalt  }
0x68: {  	_ =	shalt  }
0x69: {  	_ =	shalt  }
0x6a: {  	_ =	shalt  }
0x6b: {  	_ =	shalt  }
0x6c: {  	_ =	shalt  }
0x6d: {  	_ =	shalt  }
0x6e: {  	_ =	shalt  }
0x6f: {  	_ =	shalt  }
0x70: {  	_ =	shalt  }
0x71: {  	_ =	shalt  }
0x72: {  	_ =	shalt  }
0x73: {  	_ =	shalt  }
0x74: {  	_ =	shalt  }
0x75: {  	_ =	shalt  }
0x76: {  	_ =	shalt  }
0x77: {  	_ =	shalt  }
0x78: {  	_ =	shalt  }
0x79: {  	_ =	shalt  }
0x7a: {  	_ =	shalt  }
0x7b: {  	_ =	shalt  }
0x7c: {  	_ =	shalt  }
0x7d: {  	_ =	shalt  }
0x7e: {  	_ =	shalt  }
0x7f: {  	_ =	shalt  }
0x80: {  	_ =	shalt  }
0x81: {  	_ =	shalt  }
0x82: {  	_ =	shalt  }
0x83: {  	_ =	shalt  }
0x84: {  	_ =	shalt  }
0x85: {  	_ =	shalt  }
0x86: {  	_ =	shalt  }
0x87: {  	_ =	shalt  }
.Lfunc_end0:
.L_simem_size_0:
called_computation_lowered:
.L_overlay_start_0:
0x88: {  	s2 =	sld [smem:$0x3FD9]  }
0x89: {  	s3 =	sld [smem:$0x3FFE];
	_ =	sdelay $0x1  }
0x8a: {  	s1 =	srdreg.scid  }
0x8b: {  	s0 =	sand.u32 $0x1, s1  }
0x8c: {  	s15 =	sshll.u32 s0, $0xA;
	s2 =	sadd.s32 s3, s2  }
0x8d: {  	s2 =	sadd.s32 s2, s15  }
0x8e: {  	[smem:$0x3FC2] =	sst s2  }
0x8f: {  	_ = 	snop  }
0x90: {  	s2 =	sld [smem:$0x3FD0];
	_ =	sdelay $0x2  }
0x91: {  	s16 =	simm.s32 $0xA;
	s4 =	simm.s32 $0x10  }
0x92: {  	[smem:s4], [sflag:s16] =	dma.local [hbm:s2], $0x1  }
0x93: {  	_ =	swait.eq [sflag:s16], $0x1  }
0x94: {  	[sflag:s16] =	ssyncset.done $0x0  }
0x95: {  	s17 =	sld [smem:$0x10];
	[sflag:s16] =	ssyncadd.s32 $0xFFFFFFFF  }
0x96: {  	s18 =	sld [smem:$0x11];
	(tm) =	ssettm $0x1  }
0x97: {  	s19 =	sld [smem:$0x3FFB];
	_ =	sdelay $0x3  }
0x98: {  	_ =	strace s19  }
0x99: {  	s4 =	sld [smem:$0x3FFC];
	_ =	sdelay $0x3  }
0x9a: {  	_ =	strace s4  }
0x9b: {  	s4 =	sld [smem:$0x3FFD];
	_ =	sdelay $0x3  }
0x9c: {  	_ =	strace s4  }
0x9d: {  	_ =	strace $0x8FFFFFFF  }
0x9e: {  	s20 =	sld [smem:$0x3FDB];
	_ =	sdelay $0x1  }
0x9f: {  	s5 =	simm.s32 $_scs_section_size  }
0xa0: {  	s6 =	simm.s32 $_size__tile_overlayer_lowered;
	s7 =	simm.s32 $_tile_overlayer_lowered  }
0xa1: {  	s23 =	simm.s32 $0x1BFF;
	s22 =	sshll.u32 s7, $0x1;
	s4 =	sadd.s32 s5, s20  }
0xa2: {  	s8 =	simm.s32 $0x0;
	s21 =	sshll.u32 s6, $0x1;
	s6 =	sadd.s32 s22, s4  }
0xa3: {  	[timem:s8], [sflag:s23] =	dma.local [hbm:s6], s21  }
0xa4: {  	_ =	swait.ge [sflag:s23], s21  }
0xa5: {  	s5 =	ssub.s32 $0x0, s21;
	[sflag:s23] =	ssyncset.done $0x0  }
0xa6: {  	[sflag:s23] =	ssyncadd.s32 s5;
	_ =	sdelay $0x1  }
0xa7: {  	s24 =	simm.s32 $0x1B8B  }
0xa8: {  	_ =	swait.ge [sflag:s24], $0x1  }
0xa9: {  	[sflag:s24] =	ssyncset.done $0x0  }
0xaa: {  	s25 =	simm.s32 $0x1B8E;
	[sflag:s24] =	ssyncadd.s32 $0xFFFFFFFF  }
0xab: {  	s26 =	simm.s32 $execute0_lowered;
	[smem:$0x3FD2] =	sst s25  }
0xac: {  	s5 =	sshll.u32 s26, $0x1;
	_ =	strace $0x80000046;
	[dreg:$0x1] =	wrdreg $0xFFFFFFFF  }
0xad: {  	s28 =	simm.s32 $_size_execute0_lowered;
	s4 =	sadd.s32 s4, s5;
	[dreg:$0x0] =	wrdreg $0x0  }
0xae: {  	s5 =	sshll.u32 s28, $0x1;
	[dreg:$0x2] =	wrdreg s4  }
0xaf: {  	[dreg:$0x3] =	wrdreg s5  }
0xb0: {  	[dreg:$0x4] =	wrdreg $0xC0  }
0xb1: {  	_ =	task [dreg:s8], $0x5FFFF  }
0xb2: {  	[dreg:$0x1] =	wrdreg $0xFFFFFFFF  }
0xb3: {  	[dreg:$0x0] =	wrdreg $0x60  }
0xb4: {  	[dreg:$0x2] =	wrdreg s17  }
0xb5: {  	[dreg:$0x3] =	wrdreg s18  }
0xb6: {  	[dreg:$0x4] =	wrdreg $0x2B000  }
0xb7: {  	[dreg:$0x5] =	wrdreg $0x9  }
0xb8: {  	_ =	task.clear_ibuf [dreg:s8], $0x6FFFF;
	_ =	strace $0x90000046  }
0xb9: {  	s29 =	simm.s32 $0x9;
	_ =	strace $0x80000048  }
0xba: {  	_ =	swait.ge [sflag:s29], $0x1  }
0xbb: {  	[sflag:s29] =	ssyncadd.s32 $0xFFFFFFFF  }
0xbc: {  	_ =	strace $0x90000048  }
0xbd: {  	_ =	sfence  }
0xbe: {  	s30 =	sld [smem:$0x0];
	_ =	sdelay $0x2  }
0xbf: {  	s31 =	sshll.u32 s1, $0xD;
	s1 =	sshrl.u32 s1, $0x2  }
0xc0: {  	s3 =	sand.u32 $0x4000, s31;
	s1 =	sadd.s32 s1, s30  }
0xc1: {  	s0 =	sor.u32 s3, s0;
	s1 =	sshll.u32 s1, $0x11  }
0xc2: {  	s0 =	sor.u32 s1, s0  }
0xc3: {  	s0 =	sadd.s32 $0x8F2B, s0  }
0xc4: {  	[sflag:s0] =	ssyncadd.remote.s32 $0x1  }
0xc5: {  	_ =	sfence.sel $0xFFFF  }
0xc6: {  	[dreg:$0x0] =	wrdreg $0xFFFFFFFF;
	(pc) =	sbr.abs _section_cstart, $3  }
0xc7: {  	[dreg:$0x1] =	wrdreg $0xFFFFFFFF  }
0xc8: {  	_ =	task.clear_ibuf [dreg:s8], $0x2FFFF;
	_ =	strace $0x9FFFFFFF  }
0xc9: {  	(tm) =	ssettm $0x7FFFFFFF  }
tec
execute0_lowered:
.L_overlay_start_1:
0x0: {  	(tag) =	ssettag $0x1  }
0x1: {  	s5 =	rddreg [dreg:$0x0]  }
0x2: {  	s6 =	rddreg [dreg:$0x1]  }
0x3: {  	s1 =	rddreg [dreg:$0x2]  }
0x4: {  	s0 =	rddreg [dreg:$0x3];
	s3 =	simm.s32 $0x0;
	s4 =	srdreg.scid  }
0x5: {  	s2 =	stileid.u32;
	s14 =	simm.s32 $0x20;
	s15 =	simm.s32 $0x10  }
0x6: {  	s16 =	simm.s32 $0x0;
	[smem:$0x7FF] =	sst s3;
	s8 =	smul.u32 $0xA00, s2  }
0x7: {  	s4 =	sand.u32 $0x1, s4;
	s10 =	smul.u32 $0x500, s2;
	s12 =	sshll.u32 s2, $0x6  }
0x8: {  	_ =	strace $0x80000047;
	s7 =	sshll.u32 s4, $0x4;
	s9 =	ssub.s32 $0x2, s4  }
0x9: {  	s4 =	sshll.u32 s4, $0x7;
	s12 =	sor.u32 $0x1C01, s12;
	s7 =	sor.u32 s2, s7  }
0xa: {  	s11 =	sshrl.u32 s9, $0x1;
	s8 =	sshrl.u32 s8, $0x2;
	s10 =	sor.u32 s4, s10  }
0xb: {  	s7 =	smul.u32 $0x500, s7;
	s9 =	ssub.s32 s9, s11;
	s4 =	sadd.s32 s8, s1  }
0xc: {  	s31 =	sshrl.u32 s10, $0x3;
	s8 =	simm.s32 $0x2880;
	s10 =	simm.s32 $0x80  }
0xd: {  	s11 =	simm.s32 $0x2800;
	s6 =	sadd.s32 s6, s31;
	s13 =	sshrl.u32 s4, $0x3  }
0xe: {  	v0 =	vimm.f32 $1.000000000e+00;
	v1 =	vimm.f32 $0.0e+00;
	s5 =	sadd.s32 s5, s7;
	s7 =	smax.u32 s9, $0x1;
	s9 =	simm.s32 $0x1  }
.LBB2_1:
0xf: {  	[tilespmem:$0x2800] =	vst v0  }
0x10: {  	[tilespmem:$0x2810] =	vst v0  }
0x11: {  	[tilespmem:$0x2820] =	vst v0  }
0x12: {  	[tilespmem:$0x2830] =	vst v0  }
0x13: {  	[tilespmem:$0x2840] =	vst v0  }
0x14: {  	[tilespmem:$0x2850] =	vst v0  }
0x15: {  	[tilespmem:$0x2860] =	vst v0  }
0x16: {  	[tilespmem:$0x2870] =	vst v0  }
0x17: {  	[tilespmem:$0x2880] =	vst v1  }
0x18: {  	[tilespmem:$0x2890] =	vst v1  }
0x19: {  	[tilespmem:$0x28A0] =	vst v1  }
0x1a: {  	[tilespmem:$0x28B0] =	vst v1  }
0x1b: {  	[tilespmem:$0x28C0] =	vst v1  }
0x1c: {  	[tilespmem:$0x28D0] =	vst v1  }
0x1d: {  	[tilespmem:$0x28E0] =	vst v1  }
0x1e: {  	[tilespmem:$0x28F0] =	vst v1  }
0x1f: {  	[tilespmem:$0x2900] =	vst v1  }
0x20: {  	[tilespmem:$0x2910] =	vst v1  }
0x21: {  	[tilespmem:$0x2920] =	vst v1  }
0x22: {  	[tilespmem:$0x2930] =	vst v1  }
0x23: {  	[tilespmem:$0x2940] =	vst v1  }
0x24: {  	[tilespmem:$0x2950] =	vst v1  }
0x25: {  	[tilespmem:$0x2960] =	vst v1  }
0x26: {  	[tilespmem:$0x2970] =	vst v1  }
0x27: {  	[tilespmem:$0x2980] =	vst v1  }
0x28: {  	[tilespmem:$0x2990] =	vst v1  }
0x29: {  	[tilespmem:$0x29A0] =	vst v1  }
0x2a: {  	[tilespmem:$0x29B0] =	vst v1  }
0x2b: {  	[tilespmem:$0x29C0] =	vst v1  }
0x2c: {  	[tilespmem:$0x29D0] =	vst v1  }
0x2d: {  	[tilespmem:$0x29E0] =	vst v1  }
0x2e: {  	[tilespmem:$0x29F0] =	vst v1  }
0x2f: {  	[tilespmem:$0x2A00] =	vst v1  }
0x30: {  	[tilespmem:$0x2A10] =	vst v1  }
0x31: {  	[tilespmem:$0x2A20] =	vst v1  }
0x32: {  	[tilespmem:$0x2A30] =	vst v1  }
0x33: {  	[tilespmem:$0x2A40] =	vst v1  }
0x34: {  	[tilespmem:$0x2A50] =	vst v1  }
0x35: {  	[tilespmem:$0x2A60] =	vst v1  }
0x36: {  	[tilespmem:$0x2A70] =	vst v1  }
0x37: {  	[tilespmem:$0x2A80] =	vst v1  }
0x38: {  	[tilespmem:$0x2A90] =	vst v1  }
0x39: {  	[tilespmem:$0x2AA0] =	vst v1  }
0x3a: {  	[tilespmem:$0x2AB0] =	vst v1  }
0x3b: {  	[tilespmem:$0x2AC0] =	vst v1  }
0x3c: {  	[tilespmem:$0x2AD0] =	vst v1  }
0x3d: {  	[tilespmem:$0x2AE0] =	vst v1  }
0x3e: {  	[tilespmem:$0x2AF0] =	vst v1  }
0x3f: {  	[spmem:s4] =	stream.linear.scatter [tilespmem:s8], [sflag:$0x1], $0x280, $0x38;
	[tilespmem:$0x2D80] =	vst v63  }
0x40: {  	_ =	swait.ge [sflag:s9], $0x280  }
0x41: {  	[sflag:s9] =	ssyncset.done $0x0  }
0x42: {  	[sflag:s9] =	ssyncadd.s32 $0xFFFFFD80  }
0x43: {  	[bflag:$0x0] =	sbarrier.arrive $0xFFFF  }
0x44: {  	[tilespmem:s3], [sflag:$0x1] =	stream.linear.gather [hbm4b:s5+s3], $0x2800, $0x38;
	[tilespmem:$0x2D80] =	vst v63  }
0x45: {  	_ =	swait.ge [sflag:s9], $0x2800  }
0x46: {  	[sflag:s9] =	ssyncset.done $0x0  }
0x47: {  	s17 =	simm.s32 $0x0;
	[sflag:s9] =	ssyncadd.s32 $0xFFFFD800  }
0x48: {  	[spmem:s1] =	stream.indirect.scatter.add.f32 [tilespmem:s11], [sflag:$0x1], $0x1, s17, s10, $0xb8;
	[tilespmem:$0x2D80] =	vst v63  }
0x49: {  	_ =	swait.ge [sflag:s9], $0x80  }
0x4a: {  	s17 =	simm.s32 $0x200;
	[sflag:s9] =	ssyncset.done $0x0  }
.LBB2_2:
0x4b: {  	s18 =	sshra.s32 s17, $0x2;
	[sflag:s9] =	ssyncadd.s32 $0xFFFFFF80;
	p0 =	sne.s32 s17, $0x9E00  }
0x4c: {  	[spmem:s1] =	stream.indirect.scatter.add.f32 [tilespmem:s11], [sflag:$0x1], $0x1, s18, s10, $0xb8;
	[tilespmem:$0x2D80] =	vst v63  }
.Ltmp0:
0x4d: {  	_ = 	snop;
	(pc) =	sbr.rel @p0 .LBB2_2-.Ltmp0, $4  }
0x4e: {  	_ = 	snop  }
0x4f: {  	s17 =	sadd.s32 $0x200, s17  }
0x50: {  	_ =	swait.ge [sflag:s9], $0x80  }
0x51: {  	[sflag:s9] =	ssyncset.done $0x0  }
0x52: {  	s16 =	sadd.s32 $0x1, s16  }
0x53: {  	[sflag:s9] =	ssyncadd.s32 $0xFFFFFF80;
	p0 =	sne.s32 s16, s7  }
.Ltmp1:
0x54: {  	[bflag:$0x0] =	sbarrier.arrive $0xFFFF;
	(pc) =	sbr.rel @p0 .LBB2_1-.Ltmp1, $4  }
0x55: {  	[hbm:s6@s14], [sflag:s12] =	dma.strided [spmem:s13@s15], $0x50, s9, $0x10   }
0x56: {  	_ =	swait.ge [sflag:s9], $0x50  }
0x57: {  	[sflag:s9] =	ssyncset.done $0x0  }
0x58: {  	[sflag:s9] =	ssyncadd.s32 $0xFFFFFFB0  }
0x59: {  	_ =	sfence.sel $0x180000  }
0x5a: {  	[bflag:$0x0] =	sbarrier.arrive $0xFFFF  }
0x5b: {  	p0 =	sne.s32 s2, $0x0;
	_ =	strace $0x90000047  }
0x5c: {  	s0 =	sadd.s32 @!p0 $0x100000, s0;
	[bflag:$0x2] =	sbarrier.arrive $0xFFFF  }
0x5d: {  	[sflag:s0] =	ssyncadd.tile.s32 @!p0 $0x1;
	_ =	shalt  }
.Lfunc_end2:
_tile_overlayer_lowered:
.L_overlay_start_2:
0x5e: {  	(tag) =	ssettag $0x2  }
0x5f: {  	s0 =	rddreg [dreg:$0x0];
	s2 =	stileid.u32  }
0x60: {  	s1 =	rddreg [dreg:$0x1];
	p0 =	sne.s32 s2, $0x0  }
0x61: {  	s3 =	rddreg [dreg:$0x2];
	[bflag:$0x3] =	sbarrier.arrive $0xFFFF;
	s2 =	simm.s32 @!p0 $0x1C01  }
0x62: {  	[timem:s3], [sflag:s2] =	dma.local @!p0 [hbm:s0], s1  }
0x63: {  	s0 =	simm.s32 @!p0 $0x1  }
0x64: {  	_ =	swait.ge @!p0 [sflag:s0], s1  }
0x65: {  	s1 =	ssub.s32 @!p0 $0x0, s1;
	[sflag:s0] =	ssyncset.done @!p0 $0x0  }
0x66: {  	[sflag:s0] =	ssyncadd.s32 @!p0 s1  }
0x67: {  	[bflag:$0x3] =	sbarrier.arrive $0xFFFF  }
0x68: {  	_ =	shalt  }

// kernel: kernel.9.cloned.1.call-start
scs
__scs_entry_jumppad:
0x0: {  	(pc) =	sbr.rel $0x88, $3  }
0x1: {  	(tag) =	ssettag $0x0;
	lr =	simm.s32 $0x1  }
0x2: {  	[smem:$0x3F9B] =	sst lr;
	_ =	strace $0xD0000000  }
0x3: {  	_ = 	snop  }
0x4: {  	_ = 	snop  }
0x5: {  	_ = 	snop  }
0x6: {  	_ = 	snop  }
0x7: {  	_ = 	snop  }
__scs_overlays_trampoline_lowered:
0x8: {  	[smem:$0x3FAA] =	sst s0  }
0x9: {  	[smem:$0x3FAB] =	sst s1  }
0xa: {  	[smem:$0x3FAC] =	sst s2  }
0xb: {  	[smem:$0x3FAD] =	sst s3  }
0xc: {  	[smem:$0x3FAE] =	sst s4  }
0xd: {  	[smem:$0x3FAF] =	sst s5  }
0xe: {  	[smem:$0x3FB0] =	sst s6  }
0xf: {  	[smem:$0x3FB1] =	sst s7  }
0x10: {  	[smem:$0x3FB2] =	sst s8  }
0x11: {  	[smem:$0x3FB3] =	sst s9;
	s0 =	simm.s32 @!p0 $0x0  }
0x12: {  	s1 =	sld [smem:$0x3F99];
	s0 =	simm.s32 @p0 $0x1  }
0x13: {  	[smem:$0x3FB4] =	sst s0;
	s0 =	simm.s32 @!p1 $0x0  }
0x14: {  	s2 =	sld [smem:$0x3F98];
	s0 =	simm.s32 @p1 $0x1  }
0x15: {  	[smem:$0x3FB5] =	sst s0;
	s0 =	simm.s32 @!p2 $0x0  }
0x16: {  	s3 =	sld [smem:$0x3FDB];
	s0 =	simm.s32 @p2 $0x1  }
0x17: {  	s4 =	simm.s32 $0x1BF5;
	[smem:$0x3FB7] =	sst s0  }
0x18: {  	s0 =	sld [smem:$0x3F9A];
	_ =	swait.ge [sflag:s4], $0x0  }
0x19: {  	s7 =	sld [smem:$0x3F9B]  }
0x1a: {  	s8 =	sadd.s32 $0xFFFFE003, lr  }
0x1b: {  	s9 =	sadd.s32 $0xFFFFFEF7, lr;
	s5 =	simm.s32 $0xFFFFFFFF;
	p2 =	slt.u32 s8, $0xFFFFF086  }
0x1c: {  	p1 =	slt.u32 s9, $0xF7A;
	s5 =	simm.s32 @!p2 $0x0  }
0x1d: {  	s5 =	simm.s32 @p1 $0x1;
	p0 =	seq.s32 s7, s2  }
0x1e: {  	s7 =	smul.u32 @!p0 $0xF7A, s2;
	p2 =	seq.s32 @!p0 s5, $0x0  }
0x1f: {  	s9 =	smul.u32 $0xF7A, s1;
	s8 =	simm.s32 @!p0 $0x1BF5;
	p2 =	por !p2, p0  }
0x20: {  	[sflag:s8] =	ssyncset.s32 @!p0 $0xFFFFF086;
	s6 =	sadd.s32 @!p0 s3, s7;
	s7 =	simm.s32 @!p0 $0x108  }
0x21: {  	s3 =	sadd.s32 s3, s9;
	s6 =	sadd.s32 @!p0 $0x88, s6;
	s7 =	simm.s32 @p2 $0x1082  }
0x22: {  	[simem:s7], [sflag:s8] =	dma.local @!p0 [hbm:s6], $0xF7A  }
0x23: {  	s9 =	sor.u32 $0xD0000000, s2;
	s6 =	simm.s32 $0x108;
	_ =	swait.ge @!p0 [sflag:s8], $0x0  }
0x24: {  	s3 =	sadd.s32 $0x88, s3;
	s6 =	simm.s32 @!p1 $0x1082;
	[sflag:s4] =	ssyncset.s32 $0xFFFFF086  }
0x25: {  	[simem:s6], [sflag:s4] =	dma.local [hbm:s3], $0xF7A  }
0x26: {  	[smem:$0x3F9B] =	sst s1;
	(tag) =	ssettag s2;
	_ =	strace s9  }
0x27: {  	s1 =	sld [smem:$0x3FAB]  }
0x28: {  	s2 =	sld [smem:$0x3FAC]  }
0x29: {  	s4 =	sld [smem:$0x3FAE]  }
0x2a: {  	p0 =	seq.s32 s5, $0x0;
	s5 =	sld [smem:$0x3FAF]  }
0x2b: {  	s6 =	sld [smem:$0x3FB0]  }
0x2c: {  	s7 =	sld [smem:$0x3FB1]  }
0x2d: {  	s3 =	simm.s32 $0x108;
	s8 =	sld [smem:$0x3FB2]  }
0x2e: {  	s3 =	simm.s32 @!p0 $0x1082;
	s9 =	sld [smem:$0x3FB3]  }
0x2f: {  	lr =	sadd.s32 s0, s3;
	s0 =	sld [smem:$0x3FAA]  }
0x30: {  	s3 =	sld [smem:$0x3FAD]  }
0x31: {  	[smem:$0x3FB6] =	sst s10  }
0x32: {  	s10 =	sld [smem:$0x3FB4];
	_ =	sdelay $0x3  }
0x33: {  	p0 =	seq.s32 s10, $0x1;
	s10 =	sld [smem:$0x3FB6];
	_ =	sdelay $0x3  }
0x34: {  	[smem:$0x3FB6] =	sst s10  }
0x35: {  	s10 =	sld [smem:$0x3FB5];
	_ =	sdelay $0x3  }
0x36: {  	p1 =	seq.s32 s10, $0x1;
	s10 =	sld [smem:$0x3FB6];
	_ =	sdelay $0x3  }
0x37: {  	[smem:$0x3FB6] =	sst s10  }
0x38: {  	s10 =	sld [smem:$0x3FB7]  }
0x39: {  	_ = 	snop;
	(pc) =	sbr.ind lr, $3  }
0x3a: {  	_ = 	snop  }
0x3b: {  	_ = 	snop  }
0x3c: {  	p2 =	seq.s32 s10, $0x1;
	s10 =	sld [smem:$0x3FB6]  }
0x3d: {  	_ =	shalt  }
0x3e: {  	_ =	shalt  }
0x3f: {  	_ =	shalt  }
0x40: {  	_ =	shalt  }
0x41: {  	_ =	shalt  }
0x42: {  	_ =	shalt  }
0x43: {  	_ =	shalt  }
0x44: {  	_ =	shalt  }
0x45: {  	_ =	shalt  }
0x46: {  	_ =	shalt  }
0x47: {  	_ =	shalt  }
0x48: {  	_ =	shalt  }
0x49: {  	_ =	shalt  }
0x4a: {  	_ =	shalt  }
0x4b: {  	_ =	shalt  }
0x4c: {  	_ =	shalt  }
0x4d: {  	_ =	shalt  }
0x4e: {  	_ =	shalt  }
0x4f: {  	_ =	shalt  }
0x50: {  	_ =	shalt  }
0x51: {  	_ =	shalt  }
0x52: {  	_ =	shalt  }
0x53: {  	_ =	shalt  }
0x54: {  	_ =	shalt  }
0x55: {  	_ =	shalt  }
0x56: {  	_ =	shalt  }
0x57: {  	_ =	shalt  }
0x58: {  	_ =	shalt  }
0x59: {  	_ =	shalt  }
0x5a: {  	_ =	shalt  }
0x5b: {  	_ =	shalt  }
0x5c: {  	_ =	shalt  }
0x5d: {  	_ =	shalt  }
0x5e: {  	_ =	shalt  }
0x5f: {  	_ =	shalt  }
0x60: {  	_ =	shalt  }
0x61: {  	_ =	shalt  }
0x62: {  	_ =	shalt  }
0x63: {  	_ =	shalt  }
0x64: {  	_ =	shalt  }
0x65: {  	_ =	shalt  }
0x66: {  	_ =	shalt  }
0x67: {  	_ =	shalt  }
0x68: {  	_ =	shalt  }
0x69: {  	_ =	shalt  }
0x6a: {  	_ =	shalt  }
0x6b: {  	_ =	shalt  }
0x6c: {  	_ =	shalt  }
0x6d: {  	_ =	shalt  }
0x6e: {  	_ =	shalt  }
0x6f: {  	_ =	shalt  }
0x70: {  	_ =	shalt  }
0x71: {  	_ =	shalt  }
0x72: {  	_ =	shalt  }
0x73: {  	_ =	shalt  }
0x74: {  	_ =	shalt  }
0x75: {  	_ =	shalt  }
0x76: {  	_ =	shalt  }
0x77: {  	_ =	shalt  }
0x78: {  	_ =	shalt  }
0x79: {  	_ =	shalt  }
0x7a: {  	_ =	shalt  }
0x7b: {  	_ =	shalt  }
0x7c: {  	_ =	shalt  }
0x7d: {  	_ =	shalt  }
0x7e: {  	_ =	shalt  }
0x7f: {  	_ =	shalt  }
0x80: {  	_ =	shalt  }
0x81: {  	_ =	shalt  }
0x82: {  	_ =	shalt  }
0x83: {  	_ =	shalt  }
0x84: {  	_ =	shalt  }
0x85: {  	_ =	shalt  }
0x86: {  	_ =	shalt  }
0x87: {  	_ =	shalt  }
.Lfunc_end0:
.L_simem_size_0:
called_computation.1_lowered:
.L_overlay_start_0:
0x88: {  	s2 =	sld [smem:$0x3FD9]  }
0x89: {  	s3 =	sld [smem:$0x3FFE];
	_ =	sdelay $0x1  }
0x8a: {  	s1 =	srdreg.scid  }
0x8b: {  	s0 =	sand.u32 $0x1, s1  }
0x8c: {  	s14 =	sshll.u32 s0, $0xA;
	s2 =	sadd.s32 s3, s2  }
0x8d: {  	s2 =	sadd.s32 s2, s14  }
0x8e: {  	[smem:$0x3FC2] =	sst s2  }
0x8f: {  	_ = 	snop  }
0x90: {  	s2 =	sld [smem:$0x3FD0];
	_ =	sdelay $0x2  }
0x91: {  	s15 =	simm.s32 $0xA;
	s4 =	simm.s32 $0x10  }
0x92: {  	[smem:s4], [sflag:s15] =	dma.local [hbm:s2], $0x1  }
0x93: {  	_ =	swait.eq [sflag:s15], $0x1  }
0x94: {  	[sflag:s15] =	ssyncset.done $0x0  }
0x95: {  	s16 =	sld [smem:$0x10];
	[sflag:s15] =	ssyncadd.s32 $0xFFFFFFFF  }
0x96: {  	s17 =	sld [smem:$0x11];
	(tm) =	ssettm $0x1  }
0x97: {  	s18 =	sld [smem:$0x3FFB];
	_ =	sdelay $0x3  }
0x98: {  	_ =	strace s18  }
0x99: {  	s4 =	sld [smem:$0x3FFC];
	_ =	sdelay $0x3  }
0x9a: {  	_ =	strace s4  }
0x9b: {  	s4 =	sld [smem:$0x3FFD];
	_ =	sdelay $0x3  }
0x9c: {  	_ =	strace s4  }
0x9d: {  	_ =	strace $0x8FFFFFFF  }
0x9e: {  	s19 =	sld [smem:$0x3FDB];
	_ =	sdelay $0x1  }
0x9f: {  	s5 =	simm.s32 $_scs_section_size  }
0xa0: {  	s6 =	simm.s32 $_size__tile_overlayer_lowered;
	s7 =	simm.s32 $_tile_overlayer_lowered  }
0xa1: {  	s22 =	simm.s32 $0x1BFF;
	s21 =	sshll.u32 s7, $0x1;
	s4 =	sadd.s32 s5, s19  }
0xa2: {  	s8 =	simm.s32 $0x0;
	s20 =	sshll.u32 s6, $0x1;
	s6 =	sadd.s32 s21, s4  }
0xa3: {  	[timem:s8], [sflag:s22] =	dma.local [hbm:s6], s20  }
0xa4: {  	_ =	swait.ge [sflag:s22], s20  }
0xa5: {  	s5 =	ssub.s32 $0x0, s20;
	[sflag:s22] =	ssyncset.done $0x0  }
0xa6: {  	[sflag:s22] =	ssyncadd.s32 s5;
	_ =	sdelay $0x1  }
0xa7: {  	s23 =	simm.s32 $0x1B8B  }
0xa8: {  	_ =	swait.ge [sflag:s23], $0x1  }
0xa9: {  	[sflag:s23] =	ssyncset.done $0x0  }
0xaa: {  	s25 =	simm.s32 $0x1B8E;
	s24 =	sld [smem:$0x3FFE];
	[sflag:s23] =	ssyncadd.s32 $0xFFFFFFFF  }
0xab: {  	s26 =	simm.s32 $execute0_lowered;
	[smem:$0x3FD2] =	sst s25  }
0xac: {  	s6 =	sshll.u32 s26, $0x1;
	_ =	strace $0x80000049;
	[dreg:$0x1] =	wrdreg $0xFFFFFFFF  }
0xad: {  	s28 =	simm.s32 $_size_execute0_lowered;
	s4 =	sadd.s32 s4, s6;
	[dreg:$0x0] =	wrdreg $0x0  }
0xae: {  	s6 =	sshll.u32 s28, $0x1;
	[dreg:$0x2] =	wrdreg s4  }
0xaf: {  	[dreg:$0x3] =	wrdreg s6  }
0xb0: {  	[dreg:$0x4] =	wrdreg $0xC0  }
0xb1: {  	_ =	task [dreg:s8], $0x5FFFF  }
0xb2: {  	[dreg:$0x1] =	wrdreg $0xFFFFFFFF  }
0xb3: {  	[dreg:$0x0] =	wrdreg $0x60  }
0xb4: {  	[dreg:$0x2] =	wrdreg s17  }
0xb5: {  	[dreg:$0x3] =	wrdreg s24  }
0xb6: {  	[dreg:$0x4] =	wrdreg s16  }
0xb7: {  	[dreg:$0x5] =	wrdreg $0x120000  }
0xb8: {  	[dreg:$0x6] =	wrdreg $0x9  }
0xb9: {  	_ =	task.clear_ibuf [dreg:s8], $0x7FFFF;
	_ =	strace $0x90000049  }
0xba: {  	s29 =	simm.s32 $0x9;
	_ =	strace $0x8000004B  }
0xbb: {  	_ =	swait.ge [sflag:s29], $0x1  }
0xbc: {  	[sflag:s29] =	ssyncadd.s32 $0xFFFFFFFF  }
0xbd: {  	_ =	strace $0x9000004B  }
0xbe: {  	_ =	sfence  }
0xbf: {  	s30 =	sld [smem:$0x0];
	_ =	sdelay $0x2  }
0xc0: {  	s31 =	sshll.u32 s1, $0xD;
	s1 =	sshrl.u32 s1, $0x2  }
0xc1: {  	s3 =	sand.u32 $0x4000, s31;
	s1 =	sadd.s32 s1, s30  }
0xc2: {  	s0 =	sor.u32 s3, s0;
	s1 =	sshll.u32 s1, $0x11  }
0xc3: {  	s0 =	sor.u32 s1, s0  }
0xc4: {  	s0 =	sadd.s32 $0x8F2B, s0  }
0xc5: {  	[sflag:s0] =	ssyncadd.remote.s32 $0x1  }
0xc6: {  	_ =	sfence.sel $0xFFFF  }
0xc7: {  	[dreg:$0x0] =	wrdreg $0xFFFFFFFF;
	(pc) =	sbr.abs _section_cstart, $3  }
0xc8: {  	[dreg:$0x1] =	wrdreg $0xFFFFFFFF  }
0xc9: {  	_ =	task.clear_ibuf [dreg:s8], $0x2FFFF;
	_ =	strace $0x9FFFFFFF  }
0xca: {  	(tm) =	ssettm $0x7FFFFFFF  }
0xcb: {  	_ =	shalt  }
tec
execute0_lowered:
.L_overlay_start_1:
0x0: {  	(tag) =	ssettag $0x1  }
0x1: {  	s1 =	rddreg [dreg:$0x0]  }
0x2: {  	s6 =	rddreg [dreg:$0x1];
	s0 =	stileid.u32  }
0x3: {  	s2 =	srdreg.scid;
	s9 =	rddreg [dreg:$0x2]  }
0x4: {  	s3 =	rddreg [dreg:$0x3];
	s10 =	smul.u32 $0xA00, s0  }
0x5: {  	s4 =	simm.s32 $0x0;
	s16 =	simm.s32 $0xA000;
	s7 =	smul.u32 $0xA000, s0  }
0x6: {  	s11 =	sand.u32 $0x1, s2;
	s2 =	rddreg [dreg:$0x4];
	s8 =	smul.u32 $0x28000, s0  }
0x7: {  	s17 =	simm.s32 $0x1;
	[smem:$0x7FF] =	sst s4;
	s5 =	smul.u32 $0xA0000, s11  }
0x8: {  	_ =	strace $0x8000004A;
	s31 =	ssub.s32 $0x2, s11;
	s15 =	smul.u32 $0xFFFFEC78, s11  }
0x9: {  	s12 =	sadd.s32 s10, s6;
	s8 =	sshrl.u32 s8, $0x2;
	s14 =	sshrl.u32 s31, $0x1  }
0xa: {  	s9 =	sadd.s32 s9, s10;
	s5 =	sadd.s32 s7, s5;
	s14 =	ssub.s32 s31, s14  }
0xb: {  	v0 =	vmov s15;
	s15 =	simm.s32 $0x80;
	s13 =	sshrl.u32 s5, $0x3;
	s5 =	sadd.s32 s8, s3  }
0xc: {  	s8 =	sadd.s32 $0x1600, s12;
	s11 =	smax.u32 s14, $0x1;
	s12 =	simm.s32 $0xE000  }
0xd: {  	s14 =	simm.s32 $0x5000;
	s13 =	sadd.s32 s13, s6;
	s6 =	sadd.s32 $0x4000, s5  }
0xe: {  	v1 =	vimm.f32 $0.0e+00;
	v2 =	vlaneseq.u32;
	s7 =	sadd.s32 $0x8000, s5;
	s10 =	sadd.s32 $0xB600, s13;
	s13 =	simm.s32 $0x2  }
.LBB2_1:
0xf: {  	s18 =	simm.s32 $0x0;
	s19 =	simm.s32 $0x200  }
.LBB2_2:
0x10: {  	p0 =	sne.s32 s19, $0xFE00;
	[tilespmem:s18+$0xE070] =	vst v1  }
0x11: {  	[tilespmem:s18+$0xE000] =	vst v1  }
0x12: {  	[tilespmem:s18+$0xE010] =	vst v1  }
.Ltmp0:
0x13: {  	[tilespmem:s18+$0xE020] =	vst v1;
	(pc) =	sbr.rel @p0 .LBB2_2-.Ltmp0, $4  }
0x14: {  	[tilespmem:s18+$0xE030] =	vst v1  }
0x15: {  	[tilespmem:s18+$0xE040] =	vst v1  }
0x16: {  	[tilespmem:s18+$0xE050] =	vst v1  }
0x17: {  	[tilespmem:s18+$0xE060] =	vst v1;
	s18 =	sshra.s32 s19, $0x2;
	s19 =	sadd.s32 $0x200, s19  }
0x18: {  	[tilespmem:s18+$0xE070] =	vst v1  }
0x19: {  	[tilespmem:s18+$0xE000] =	vst v1  }
0x1a: {  	[tilespmem:s18+$0xE010] =	vst v1  }
0x1b: {  	[tilespmem:s18+$0xE020] =	vst v1  }
0x1c: {  	[tilespmem:s18+$0xE030] =	vst v1  }
0x1d: {  	[tilespmem:s18+$0xE040] =	vst v1  }
0x1e: {  	[tilespmem:s18+$0xE050] =	vst v1  }
0x1f: {  	[tilespmem:s18+$0xE060] =	vst v1  }
0x20: {  	[spmem:s5] =	stream.linear.scatter [tilespmem:s12], [sflag:$0x2], $0x4000, $0x38;
	[tilespmem:$0x1C000] =	vst v63  }
0x21: {  	_ =	swait.ge [sflag:s13], $0x4000  }
0x22: {  	[sflag:s13] =	ssyncset.done $0x0  }
0x23: {  	[sflag:s13] =	ssyncadd.s32 $0xFFFFC000  }
0x24: {  	[spmem:s6] =	stream.linear.scatter [tilespmem:s12], [sflag:$0x2], $0x4000, $0x38;
	[tilespmem:$0x1C000] =	vst v63  }
0x25: {  	_ =	swait.ge [sflag:s13], $0x4000  }
0x26: {  	[sflag:s13] =	ssyncset.done $0x0  }
0x27: {  	[sflag:s13] =	ssyncadd.s32 $0xFFFFC000  }
0x28: {  	[spmem:s7] =	stream.linear.scatter [tilespmem:s12], [sflag:$0x2], $0x2000, $0x38;
	[tilespmem:$0x1C000] =	vst v63  }
0x29: {  	_ =	swait.ge [sflag:s13], $0x2000  }
0x2a: {  	[sflag:s13] =	ssyncset.done $0x0  }
0x2b: {  	[sflag:s13] =	ssyncadd.s32 $0xFFFFE000  }
0x2c: {  	s29 =	simm.s32 $0x0;
	[bflag:$0x0] =	sbarrier.arrive $0xFFFF  }
0x2d: {  	[tilespmem:s29], [sflag:$0x2] =	stream.linear.gather [hbm4b:s8+s29], $0x5000, $0x38;
	[tilespmem:$0x1C000] =	vst v63  }
0x2e: {  	_ =	swait.ge [sflag:s13], $0x5000  }
0x2f: {  	[sflag:s13] =	ssyncset.done $0x0  }
0x30: {  	[sflag:s13] =	ssyncadd.s32 $0xFFFFB000  }
0x31: {  	[tilespmem:s14], [sflag:$0x2] =	stream.linear.gather [hbm4b:s9+s29], $0x5000, $0x38;
	[tilespmem:$0x1C000] =	vst v63  }
0x32: {  	s19 =	sand.u32 $0x1FE00, s29;
	s20 =	smul.u32 $0x4EC5, s29;
	_ =	swait.ge [sflag:s13], $0x5000  }
0x33: {  	s18 =	sand.u32 $0x70, s29;
	s19 =	sshrl.u32 s19, $0x2;
	[sflag:s13] =	ssyncset.done $0x0  }
0x34: {  	s18 =	sor.u32 s18, s19;
	[sflag:s13] =	ssyncadd.s32 $0xFFFFB000  }
0x35: {  	s30 =	sshrl.u32 s20, $0x15;
	v3 =	vld [tilespmem:s18+$0x5000]  }
0x36: {  	s19 =	smul.u32 $0x68, s30;
	_ =	sdelay $0x1  }
0x37: {  	s31 =	ssub.s32 $0x0, s19  }
0x38: {  	s21 =	simm.s32 $0x40;
	s20 =	sadd.s32 $0x1388, s31  }
0x39: {  	s22 =	simm.s32 $0x2;
	s19 =	simm.s32 $0x1;
	s25 =	sand.u32 $0xFFFF, s20;
	v3 =	vadd.s32 v0, v3  }
0x3a: {  	s24 =	sand.u32 $0x1FE00, s21;
	s23 =	smul.u32 $0x4EC5, s19;
	s20 =	simm.s32 $0x10;
	v4 =	vadd.s32 s25, v2;
	vm0 =	vlt.u32 v3, $0x1388  }
.LBB2_4:
0x3b: {  	p0 =	sne.s32 s22, $0x4FF;
	s25 =	sand.u32 $0x70, s20;
	s24 =	sshrl.u32 s24, $0x2;
	v3 =	vsel vm0, v3, v4  }
0x3c: {  	[tilespmem:s18+$0x5000] =	vst v3;
	s18 =	sor.u32 s25, s24  }
0x3d: {  	s23 =	sshrl.u32 s23, $0x15;
	v3 =	vld [tilespmem:s18+$0x5000]  }
0x3e: {  	s23 =	smul.u32 $0x68, s23  }
.Ltmp1:
0x3f: {  	(pc) =	sbr.rel @p0 .LBB2_4-.Ltmp1, $4  }
0x40: {  	s23 =	ssub.s32 s19, s23;
	s19 =	smov.u32 s22  }
0x41: {  	s23 =	sadd.s32 $0x1388, s23  }
0x42: {  	s20 =	sadd.s32 $0x10, s20;
	s21 =	sadd.s32 $0x40, s21;
	s25 =	sand.u32 $0xFFFF, s23;
	v3 =	vadd.s32 v0, v3  }
0x43: {  	s24 =	sand.u32 $0x1FE00, s21;
	s22 =	sadd.s32 $0x1, s22;
	s23 =	smul.u32 $0x4EC5, s19;
	v4 =	vadd.s32 s25, v2;
	vm0 =	vlt.u32 v3, $0x1388  }
0x44: {  	s20 =	sand.u32 $0x70, s20;
	s21 =	sshrl.u32 s24, $0x2;
	v3 =	vsel vm0, v3, v4  }
0x45: {  	s20 =	sor.u32 s20, s21;
	[tilespmem:s18+$0x5000] =	vst v3  }
0x46: {  	s29 =	sshrl.u32 s23, $0x15;
	v3 =	vld [tilespmem:s20+$0x5000]  }
0x47: {  	s18 =	smul.u32 $0x68, s29;
	_ =	sdelay $0x1  }
0x48: {  	s18 =	ssub.s32 s19, s18  }
0x49: {  	s18 =	sadd.s32 $0x1388, s18  }
0x4a: {  	s18 =	sand.u32 $0xFFFF, s18;
	v3 =	vadd.s32 v0, v3  }
0x4b: {  	v63 =	vadd.s32 s18, v2;
	vm15 =	vlt.u32 v3, $0x1388  }
0x4c: {  	v3 =	vsel vm15, v3, v63  }
0x4d: {  	s30 =	simm.s32 $0x0;
	[tilespmem:s20+$0x5000] =	vst v3  }
0x4e: {  	[tilespmem:s16], [sflag:$0x1] =	stream.indirect.gather [hbm4b:s1+s15], $0x80, s30, s15, $0xb8;
	[tilespmem:$0x1C000] =	vst v63  }
0x4f: {  	_ =	swait.ge [sflag:s17], $0x4000  }
0x50: {  	[sflag:s17] =	ssyncset.done $0x0  }
0x51: {  	s31 =	simm.s32 $0x5000;
	[sflag:s17] =	ssyncadd.s32 $0xFFFFC000  }
0x52: {  	[spmem:s3] =	stream.indirect.scatter.add.f32 [tilespmem:s16], [sflag:$0x2], $0x80, s31, s15, $0xb8;
	[tilespmem:$0x1C000] =	vst v63  }
0x53: {  	_ =	swait.ge [sflag:s13], $0x4000  }
0x54: {  	s19 =	simm.s32 $0x400;
	s18 =	simm.s32 $0x200;
	[sflag:s13] =	ssyncset.done $0x0  }
.LBB2_6:
0x55: {  	s20 =	sshra.s32 s18, $0x2  }
0x56: {  	[sflag:s13] =	ssyncadd.s32 $0xFFFFC000;
	s18 =	smov.u32 s19;
	s21 =	sadd.s32 $0x200, s19  }
0x57: {  	[tilespmem:s16], [sflag:$0x1] =	stream.indirect.gather [hbm4b:s1+s15], $0x80, s20, s15, $0xb8;
	[tilespmem:$0x1C000] =	vst v63  }
0x58: {  	p0 =	sne.s32 s19, $0x13E00;
	_ =	swait.ge [sflag:s17], $0x4000  }
.Ltmp2:
0x59: {  	[sflag:s17] =	ssyncset.done $0x0;
	(pc) =	sbr.rel @p0 .LBB2_6-.Ltmp2, $4  }
0x5a: {  	s19 =	sadd.s32 $0x5000, s20;
	[sflag:s17] =	ssyncadd.s32 $0xFFFFC000  }
0x5b: {  	[spmem:s3] =	stream.indirect.scatter.add.f32 [tilespmem:s16], [sflag:$0x2], $0x80, s19, s15, $0xb8;
	[tilespmem:$0x1C000] =	vst v63  }
0x5c: {  	_ =	swait.ge [sflag:s13], $0x4000  }
0x5d: {  	s19 =	smov.u32 s21;
	[sflag:s13] =	ssyncset.done $0x0  }
0x5e: {  	s18 =	sshra.s32 s18, $0x2;
	[sflag:s13] =	ssyncadd.s32 $0xFFFFC000  }
0x5f: {  	[tilespmem:s16], [sflag:$0x1] =	stream.indirect.gather [hbm4b:s1+s15], $0x80, s18, s15, $0xb8;
	[tilespmem:$0x1C000] =	vst v63  }
0x60: {  	_ =	swait.ge [sflag:s17], $0x4000  }
0x61: {  	[sflag:s17] =	ssyncset.done $0x0  }
0x62: {  	s18 =	sadd.s32 $0x5000, s18;
	[sflag:s17] =	ssyncadd.s32 $0xFFFFC000  }
0x63: {  	[spmem:s3] =	stream.indirect.scatter.add.f32 [tilespmem:s16], [sflag:$0x2], $0x80, s18, s15, $0xb8;
	[tilespmem:$0x1C000] =	vst v63  }
0x64: {  	_ =	swait.ge [sflag:s13], $0x4000  }
0x65: {  	s31 =	sshll.u32 s0, $0x6;
	s4 =	sadd.s32 $0x1, s4;
	[sflag:s13] =	ssyncset.done $0x0  }
0x66: {  	s19 =	sshrl.u32 s5, $0x3;
	p0 =	sne.s32 s4, s11;
	[sflag:s13] =	ssyncadd.s32 $0xFFFFC000  }
.Ltmp3:
0x67: {  	s18 =	sor.u32 $0x1C02, s31;
	[bflag:$0x0] =	sbarrier.arrive $0xFFFF;
	(pc) =	sbr.rel @p0 .LBB2_1-.Ltmp3, $4  }
0x68: {  	[hbm:s10], [sflag:s18] =	dma.local [spmem:s19], $0x1400  }
0x69: {  	_ =	swait.ge [sflag:s13], $0x1400  }
0x6a: {  	[sflag:s13] =	ssyncset.done $0x0  }
0x6b: {  	[sflag:s13] =	ssyncadd.s32 $0xFFFFEC00  }
0x6c: {  	_ =	sfence.sel $0x180000  }
0x6d: {  	[bflag:$0x0] =	sbarrier.arrive $0xFFFF  }
0x6e: {  	p0 =	sne.s32 s0, $0x0;
	_ =	strace $0x9000004A  }
0x6f: {  	s0 =	sadd.s32 @!p0 $0x100000, s2;
	[bflag:$0x2] =	sbarrier.arrive $0xFFFF  }
0x70: {  	[sflag:s0] =	ssyncadd.tile.s32 @!p0 $0x1;
	_ =	shalt  }
.Lfunc_end2:
_tile_overlayer_lowered:
.L_overlay_start_2:
0x71: {  	(tag) =	ssettag $0x2  }
0x72: {  	s0 =	rddreg [dreg:$0x0];
	s2 =	stileid.u32  }
0x73: {  	s1 =	rddreg [dreg:$0x1];
	p0 =	sne.s32 s2, $0x0  }
0x74: {  	s3 =	rddreg [dreg:$0x2];
	[bflag:$0x3] =	sbarrier.arrive $0xFFFF;
	s2 =	simm.s32 @!p0 $0x1C02  }
0x75: {  	[timem:s3], [sflag:s2] =	dma.local @!p0 [hbm:s0], s1  }
0x76: {  	s0 =	simm.s32 @!p0 $0x2  }
0x77: {  	_ =	swait.ge @!p0 [sflag:s0], s1  }
0x78: {  	s1 =	ssub.s32 @!p0 $0x0, s1;
	[sflag:s0] =	ssyncset.done @!p0 $0x0  }
0x79: {  	[sflag:s0] =	ssyncadd.s32 @!p0 s1  }
0x7a: {  	[bflag:$0x3] =	sbarrier.arrive $0xFFFF  }
0x7b: {  	_ =	shalt  }

</sc_bundles>
